<compile_context>
chip_gen: v7x
topology: tpu7x:2x2x1
jax: 0.10.2.dev20260603
libtpu: 0.0.44.dev20260713+nightly
codegen_flags: <defaults>
</compile_context>

<pallas_src>
import functools

import jax
from jax import lax
from jax.experimental import pallas as pl
from jax.experimental.pallas import tpu as pltpu
from jax.experimental.pallas import tpu_sc as plsc

_CHUNK = 16
_NBUF = 5
_LANES = 16


def kernel(mask, embed_weight):
    B, L = mask.shape
    D = embed_weight.shape[-1]
    info = plsc.get_sparse_core_info()
    n_cores, n_sub = info.num_cores, info.num_subcores
    n_workers = n_cores * n_sub
    rows_per_w = L // n_workers
    n_chunks = B // _CHUNK

    mesh = plsc.VectorSubcoreMesh(core_axis_name="c", subcore_axis_name="s")

    @functools.partial(
        pl.kernel,
        out_type=jax.ShapeDtypeStruct((L, B, D), embed_weight.dtype),
        mesh=mesh,
        scratch_types=[
            pltpu.VMEM((L // n_workers, D), embed_weight.dtype),
            pltpu.VMEM((_NBUF, _CHUNK, D), embed_weight.dtype),
            pltpu.SemaphoreType.DMA((_NBUF,)),
        ],
    )
    def sc_embed(table_hbm, out_hbm, rows_v, rep_v, sem):
        wid = lax.axis_index("s") * n_cores + lax.axis_index("c")
        for j in range(rows_per_w):
            pltpu.sync_copy(
                table_hbm.at[pl.ds(wid + j * n_workers, 1)],
                rows_v.at[pl.ds(j, 1)],
            )

        def fire(i, args):
            l, p = args
            pltpu.make_async_copy(
                rep_v.at[p], out_hbm.at[l, pl.ds(i * _CHUNK, _CHUNK)], sem.at[p]
            ).start()
            return args

        def drain_row(l, p):
            pltpu.make_async_copy(out_hbm.at[l], out_hbm.at[l], sem.at[p]).wait()

        for j in range(rows_per_w):
            p = j % _NBUF
            if j >= _NBUF:
                drain_row(wid + (j - _NBUF) * n_workers, p)
            vecs = [
                rows_v[j, pl.ds(v * _LANES, _LANES)] for v in range(D // _LANES)
            ]

            def fill(i, p2, vecs=vecs):
                for v in range(D // _LANES):
                    rep_v[p2, i, pl.ds(v * _LANES, _LANES)] = vecs[v]
                return p2

            lax.fori_loop(0, _CHUNK, fill, p)
            lax.fori_loop(0, n_chunks, fire, (wid + j * n_workers, p))

        for j in range(max(rows_per_w - _NBUF, 0), rows_per_w):
            drain_row(wid + j * n_workers, j % _NBUF)

    return sc_embed(embed_weight)

# --- scband reference (transcript-rebuilt; emitter-appended) ---
"""Pipeline reference for scband-position-embedding-learned-1-d-10943576670876 (READ-ONLY COPY).

The authoritative reference and input builder live on the scoring server;
editing this copy changes nothing except your own understanding.
"""

import jax, jax.numpy as jnp
import numpy as np


def setup_inputs(seed: int = 0) -> dict:
    key = jax.random.key(seed)
    k1, k2 = jax.random.split(key)
    mask = jnp.zeros((4096, 160), dtype=jnp.bool_)
    # nn.Embedding(160, num_pos_feats*2) with nn.init.uniform_ -> U[0,1)
    embed_weight = jax.random.uniform(k1, (160, 256), dtype=jnp.float32)
    return {"mask": mask, "embed_weight": embed_weight}


def reference(mask, embed_weight):
    l = mask.shape[-1]
    position = jnp.arange(l)
    emb = jnp.take(embed_weight, position, axis=0)  # [L, D]
    pe = jnp.tile(emb[None, :, :], (mask.shape[0], 1, 1))  # [B, L, D]
    pe = jnp.transpose(pe, (1, 0, 2))  # [L, B, D]
    return pe

if __name__ == "__main__":
    import jax
    _d = setup_inputs()
    print(jax.jit(kernel)(*tuple(_d.values())))

</pallas_src>

<mosaic_0001>
#map = affine_map<(d0, d1) -> (0, 0)>
#map1 = affine_map<(d0, d1) -> (0, 0, 0)>
module attributes {stable_mosaic.version = 14 : i64} {
  func.func @sc_embed(%arg0: i32, %arg1: i32, %arg2: memref<160x256xf32, #tpu.memory_space<hbm>>, %arg3: memref<160x4096x256xf32, #tpu.memory_space<hbm>>, %arg4: memref<5x256xf32, #tpu.memory_space<vmem>>, %arg5: memref<5x16x256xf32, #tpu.memory_space<vmem>>, %arg6: memref<5x!tpu.dma_semaphore, #tpu.memory_space<semaphore_mem>>) attributes {dimension_semantics = [#tpu.dimension_semantics<core_parallel>, #tpu.dimension_semantics<subcore_parallel>], iteration_bounds = array<i64: 2, 16>, scalar_prefetch = 0 : i64, scratch_operands = 3 : i64, tpu.core_type = #tpu.core_type<sc_vector_subcore>, window_params = [{transform_indices = #map}, {transform_indices = #map1}]} {
    %mul3A = arith.constant 2 : i32
    %mul3A_0 = arith.muli %arg1, %mul3A : i32
    %add3A = arith.addi %mul3A_0, %arg0 : i32
    %add3A_1 = arith.constant 0 : i32
    %add3A_2 = arith.addi %add3A, %add3A_1 : i32
    "tpu.region"() ({
      %run_scoped3A = tpu.sem_alloc : memref<!tpu.dma_semaphore, #tpu.memory_space<semaphore_mem>>
      %dma_start3A = arith.constant 0 : i32
      %dma_start3A_543 = arith.constant 0 : i32
      %dma_start3A_544 = tpu.memref_slice %arg4[%dma_start3A, %dma_start3A_543] : memref<5x256xf32, #tpu.memory_space<vmem>> -> memref<1x256xf32, #tpu.memory_space<vmem>>
      %dma_start3A_545 = arith.constant 0 : i32
      %dma_start3A_546 = tpu.memref_slice %arg2[%add3A_2, %dma_start3A_545] : memref<160x256xf32, #tpu.memory_space<hbm>> -> memref<1x256xf32, #tpu.memory_space<hbm>>
      %dma_start3A_547 = arith.constant 0 : i32
      %dma_start3A_548 = arith.constant 0 : i32
      %dma_start3A_549 = tpu.memref_slice %arg4[%dma_start3A_547, %dma_start3A_548] : memref<5x256xf32, #tpu.memory_space<vmem>> -> memref<1x256xf32, #tpu.memory_space<vmem>>
      %dma_start3A_550 = arith.constant 0 : i32
      %dma_start3A_551 = tpu.memref_slice %arg2[%add3A_2, %dma_start3A_550] : memref<160x256xf32, #tpu.memory_space<hbm>> -> memref<1x256xf32, #tpu.memory_space<hbm>>
      tpu.enqueue_dma source(%dma_start3A_551 : memref<1x256xf32, #tpu.memory_space<hbm>>) target(%dma_start3A_549 : memref<1x256xf32, #tpu.memory_space<vmem>>) target_semaphore(%run_scoped3A : memref<!tpu.dma_semaphore, #tpu.memory_space<semaphore_mem>>)
      %dma_wait3A_552 = arith.constant 0 : i32
      %dma_wait3A_553 = arith.constant 0 : i32
      %dma_wait3A_554 = tpu.memref_slice %arg4[%dma_wait3A_552, %dma_wait3A_553] : memref<5x256xf32, #tpu.memory_space<vmem>> -> memref<1x256xf32, #tpu.memory_space<vmem>>
      %dma_wait3A_555 = arith.constant 0 : i32
      %dma_wait3A_556 = tpu.memref_slice %arg2[%add3A_2, %dma_wait3A_555] : memref<160x256xf32, #tpu.memory_space<hbm>> -> memref<1x256xf32, #tpu.memory_space<hbm>>
      %dma_wait3A_557 = arith.constant 0 : i32
      %dma_wait3A_558 = arith.constant 0 : i32
      %dma_wait3A_559 = tpu.memref_slice %arg4[%dma_wait3A_557, %dma_wait3A_558] : memref<5x256xf32, #tpu.memory_space<vmem>> -> memref<1x256xf32, #tpu.memory_space<vmem>>
      %dma_wait3A_560 = arith.constant 0 : i32
      %dma_wait3A_561 = tpu.memref_slice %arg2[%add3A_2, %dma_wait3A_560] : memref<160x256xf32, #tpu.memory_space<hbm>> -> memref<1x256xf32, #tpu.memory_space<hbm>>
      tpu.wait_dma2 semaphore(%run_scoped3A : memref<!tpu.dma_semaphore, #tpu.memory_space<semaphore_mem>>) src(%dma_wait3A_561 : memref<1x256xf32, #tpu.memory_space<hbm>>) dst(%dma_wait3A_559 : memref<1x256xf32, #tpu.memory_space<vmem>>)
      tpu.yield
    }) : () -> ()
    %add3A_3 = arith.constant 32 : i32
    %add3A_4 = arith.addi %add3A, %add3A_3 : i32
    "tpu.region"() ({
      %run_scoped3A = tpu.sem_alloc : memref<!tpu.dma_semaphore, #tpu.memory_space<semaphore_mem>>
      %dma_start3A = arith.constant 1 : i32
      %dma_start3A_543 = arith.constant 0 : i32
      %dma_start3A_544 = tpu.memref_slice %arg4[%dma_start3A, %dma_start3A_543] : memref<5x256xf32, #tpu.memory_space<vmem>> -> memref<1x256xf32, #tpu.memory_space<vmem>>
      %dma_start3A_545 = arith.constant 0 : i32
      %dma_start3A_546 = tpu.memref_slice %arg2[%add3A_4, %dma_start3A_545] : memref<160x256xf32, #tpu.memory_space<hbm>> -> memref<1x256xf32, #tpu.memory_space<hbm>>
      %dma_start3A_547 = arith.constant 1 : i32
      %dma_start3A_548 = arith.constant 0 : i32
      %dma_start3A_549 = tpu.memref_slice %arg4[%dma_start3A_547, %dma_start3A_548] : memref<5x256xf32, #tpu.memory_space<vmem>> -> memref<1x256xf32, #tpu.memory_space<vmem>>
      %dma_start3A_550 = arith.constant 0 : i32
      %dma_start3A_551 = tpu.memref_slice %arg2[%add3A_4, %dma_start3A_550] : memref<160x256xf32, #tpu.memory_space<hbm>> -> memref<1x256xf32, #tpu.memory_space<hbm>>
      tpu.enqueue_dma source(%dma_start3A_551 : memref<1x256xf32, #tpu.memory_space<hbm>>) target(%dma_start3A_549 : memref<1x256xf32, #tpu.memory_space<vmem>>) target_semaphore(%run_scoped3A : memref<!tpu.dma_semaphore, #tpu.memory_space<semaphore_mem>>)
      %dma_wait3A_552 = arith.constant 1 : i32
      %dma_wait3A_553 = arith.constant 0 : i32
      %dma_wait3A_554 = tpu.memref_slice %arg4[%dma_wait3A_552, %dma_wait3A_553] : memref<5x256xf32, #tpu.memory_space<vmem>> -> memref<1x256xf32, #tpu.memory_space<vmem>>
      %dma_wait3A_555 = arith.constant 0 : i32
      %dma_wait3A_556 = tpu.memref_slice %arg2[%add3A_4, %dma_wait3A_555] : memref<160x256xf32, #tpu.memory_space<hbm>> -> memref<1x256xf32, #tpu.memory_space<hbm>>
      %dma_wait3A_557 = arith.constant 1 : i32
      %dma_wait3A_558 = arith.constant 0 : i32
      %dma_wait3A_559 = tpu.memref_slice %arg4[%dma_wait3A_557, %dma_wait3A_558] : memref<5x256xf32, #tpu.memory_space<vmem>> -> memref<1x256xf32, #tpu.memory_space<vmem>>
      %dma_wait3A_560 = arith.constant 0 : i32
      %dma_wait3A_561 = tpu.memref_slice %arg2[%add3A_4, %dma_wait3A_560] : memref<160x256xf32, #tpu.memory_space<hbm>> -> memref<1x256xf32, #tpu.memory_space<hbm>>
      tpu.wait_dma2 semaphore(%run_scoped3A : memref<!tpu.dma_semaphore, #tpu.memory_space<semaphore_mem>>) src(%dma_wait3A_561 : memref<1x256xf32, #tpu.memory_space<hbm>>) dst(%dma_wait3A_559 : memref<1x256xf32, #tpu.memory_space<vmem>>)
      tpu.yield
    }) : () -> ()
    %add3A_5 = arith.constant 64 : i32
    %add3A_6 = arith.addi %add3A, %add3A_5 : i32
    "tpu.region"() ({
      %run_scoped3A = tpu.sem_alloc : memref<!tpu.dma_semaphore, #tpu.memory_space<semaphore_mem>>
      %dma_start3A = arith.constant 2 : i32
      %dma_start3A_543 = arith.constant 0 : i32
      %dma_start3A_544 = tpu.memref_slice %arg4[%dma_start3A, %dma_start3A_543] : memref<5x256xf32, #tpu.memory_space<vmem>> -> memref<1x256xf32, #tpu.memory_space<vmem>>
      %dma_start3A_545 = arith.constant 0 : i32
      %dma_start3A_546 = tpu.memref_slice %arg2[%add3A_6, %dma_start3A_545] : memref<160x256xf32, #tpu.memory_space<hbm>> -> memref<1x256xf32, #tpu.memory_space<hbm>>
      %dma_start3A_547 = arith.constant 2 : i32
      %dma_start3A_548 = arith.constant 0 : i32
      %dma_start3A_549 = tpu.memref_slice %arg4[%dma_start3A_547, %dma_start3A_548] : memref<5x256xf32, #tpu.memory_space<vmem>> -> memref<1x256xf32, #tpu.memory_space<vmem>>
      %dma_start3A_550 = arith.constant 0 : i32
      %dma_start3A_551 = tpu.memref_slice %arg2[%add3A_6, %dma_start3A_550] : memref<160x256xf32, #tpu.memory_space<hbm>> -> memref<1x256xf32, #tpu.memory_space<hbm>>
      tpu.enqueue_dma source(%dma_start3A_551 : memref<1x256xf32, #tpu.memory_space<hbm>>) target(%dma_start3A_549 : memref<1x256xf32, #tpu.memory_space<vmem>>) target_semaphore(%run_scoped3A : memref<!tpu.dma_semaphore, #tpu.memory_space<semaphore_mem>>)
      %dma_wait3A_552 = arith.constant 2 : i32
      %dma_wait3A_553 = arith.constant 0 : i32
      %dma_wait3A_554 = tpu.memref_slice %arg4[%dma_wait3A_552, %dma_wait3A_553] : memref<5x256xf32, #tpu.memory_space<vmem>> -> memref<1x256xf32, #tpu.memory_space<vmem>>
      %dma_wait3A_555 = arith.constant 0 : i32
      %dma_wait3A_556 = tpu.memref_slice %arg2[%add3A_6, %dma_wait3A_555] : memref<160x256xf32, #tpu.memory_space<hbm>> -> memref<1x256xf32, #tpu.memory_space<hbm>>
      %dma_wait3A_557 = arith.constant 2 : i32
      %dma_wait3A_558 = arith.constant 0 : i32
      %dma_wait3A_559 = tpu.memref_slice %arg4[%dma_wait3A_557, %dma_wait3A_558] : memref<5x256xf32, #tpu.memory_space<vmem>> -> memref<1x256xf32, #tpu.memory_space<vmem>>
      %dma_wait3A_560 = arith.constant 0 : i32
      %dma_wait3A_561 = tpu.memref_slice %arg2[%add3A_6, %dma_wait3A_560] : memref<160x256xf32, #tpu.memory_space<hbm>> -> memref<1x256xf32, #tpu.memory_space<hbm>>
      tpu.wait_dma2 semaphore(%run_scoped3A : memref<!tpu.dma_semaphore, #tpu.memory_space<semaphore_mem>>) src(%dma_wait3A_561 : memref<1x256xf32, #tpu.memory_space<hbm>>) dst(%dma_wait3A_559 : memref<1x256xf32, #tpu.memory_space<vmem>>)
      tpu.yield
    }) : () -> ()
    %add3A_7 = arith.constant 96 : i32
    %add3A_8 = arith.addi %add3A, %add3A_7 : i32
    "tpu.region"() ({
      %run_scoped3A = tpu.sem_alloc : memref<!tpu.dma_semaphore, #tpu.memory_space<semaphore_mem>>
      %dma_start3A = arith.constant 3 : i32
      %dma_start3A_543 = arith.constant 0 : i32
      %dma_start3A_544 = tpu.memref_slice %arg4[%dma_start3A, %dma_start3A_543] : memref<5x256xf32, #tpu.memory_space<vmem>> -> memref<1x256xf32, #tpu.memory_space<vmem>>
      %dma_start3A_545 = arith.constant 0 : i32
      %dma_start3A_546 = tpu.memref_slice %arg2[%add3A_8, %dma_start3A_545] : memref<160x256xf32, #tpu.memory_space<hbm>> -> memref<1x256xf32, #tpu.memory_space<hbm>>
      %dma_start3A_547 = arith.constant 3 : i32
      %dma_start3A_548 = arith.constant 0 : i32
      %dma_start3A_549 = tpu.memref_slice %arg4[%dma_start3A_547, %dma_start3A_548] : memref<5x256xf32, #tpu.memory_space<vmem>> -> memref<1x256xf32, #tpu.memory_space<vmem>>
      %dma_start3A_550 = arith.constant 0 : i32
      %dma_start3A_551 = tpu.memref_slice %arg2[%add3A_8, %dma_start3A_550] : memref<160x256xf32, #tpu.memory_space<hbm>> -> memref<1x256xf32, #tpu.memory_space<hbm>>
      tpu.enqueue_dma source(%dma_start3A_551 : memref<1x256xf32, #tpu.memory_space<hbm>>) target(%dma_start3A_549 : memref<1x256xf32, #tpu.memory_space<vmem>>) target_semaphore(%run_scoped3A : memref<!tpu.dma_semaphore, #tpu.memory_space<semaphore_mem>>)
      %dma_wait3A_552 = arith.constant 3 : i32
      %dma_wait3A_553 = arith.constant 0 : i32
      %dma_wait3A_554 = tpu.memref_slice %arg4[%dma_wait3A_552, %dma_wait3A_553] : memref<5x256xf32, #tpu.memory_space<vmem>> -> memref<1x256xf32, #tpu.memory_space<vmem>>
      %dma_wait3A_555 = arith.constant 0 : i32
      %dma_wait3A_556 = tpu.memref_slice %arg2[%add3A_8, %dma_wait3A_555] : memref<160x256xf32, #tpu.memory_space<hbm>> -> memref<1x256xf32, #tpu.memory_space<hbm>>
      %dma_wait3A_557 = arith.constant 3 : i32
      %dma_wait3A_558 = arith.constant 0 : i32
      %dma_wait3A_559 = tpu.memref_slice %arg4[%dma_wait3A_557, %dma_wait3A_558] : memref<5x256xf32, #tpu.memory_space<vmem>> -> memref<1x256xf32, #tpu.memory_space<vmem>>
      %dma_wait3A_560 = arith.constant 0 : i32
      %dma_wait3A_561 = tpu.memref_slice %arg2[%add3A_8, %dma_wait3A_560] : memref<160x256xf32, #tpu.memory_space<hbm>> -> memref<1x256xf32, #tpu.memory_space<hbm>>
      tpu.wait_dma2 semaphore(%run_scoped3A : memref<!tpu.dma_semaphore, #tpu.memory_space<semaphore_mem>>) src(%dma_wait3A_561 : memref<1x256xf32, #tpu.memory_space<hbm>>) dst(%dma_wait3A_559 : memref<1x256xf32, #tpu.memory_space<vmem>>)
      tpu.yield
    }) : () -> ()
    %add3A_9 = arith.constant 128 : i32
    %add3A_10 = arith.addi %add3A, %add3A_9 : i32
    "tpu.region"() ({
      %run_scoped3A = tpu.sem_alloc : memref<!tpu.dma_semaphore, #tpu.memory_space<semaphore_mem>>
      %dma_start3A = arith.constant 4 : i32
      %dma_start3A_543 = arith.constant 0 : i32
      %dma_start3A_544 = tpu.memref_slice %arg4[%dma_start3A, %dma_start3A_543] : memref<5x256xf32, #tpu.memory_space<vmem>> -> memref<1x256xf32, #tpu.memory_space<vmem>>
      %dma_start3A_545 = arith.constant 0 : i32
      %dma_start3A_546 = tpu.memref_slice %arg2[%add3A_10, %dma_start3A_545] : memref<160x256xf32, #tpu.memory_space<hbm>> -> memref<1x256xf32, #tpu.memory_space<hbm>>
      %dma_start3A_547 = arith.constant 4 : i32
      %dma_start3A_548 = arith.constant 0 : i32
      %dma_start3A_549 = tpu.memref_slice %arg4[%dma_start3A_547, %dma_start3A_548] : memref<5x256xf32, #tpu.memory_space<vmem>> -> memref<1x256xf32, #tpu.memory_space<vmem>>
      %dma_start3A_550 = arith.constant 0 : i32
      %dma_start3A_551 = tpu.memref_slice %arg2[%add3A_10, %dma_start3A_550] : memref<160x256xf32, #tpu.memory_space<hbm>> -> memref<1x256xf32, #tpu.memory_space<hbm>>
      tpu.enqueue_dma source(%dma_start3A_551 : memref<1x256xf32, #tpu.memory_space<hbm>>) target(%dma_start3A_549 : memref<1x256xf32, #tpu.memory_space<vmem>>) target_semaphore(%run_scoped3A : memref<!tpu.dma_semaphore, #tpu.memory_space<semaphore_mem>>)
      %dma_wait3A_552 = arith.constant 4 : i32
      %dma_wait3A_553 = arith.constant 0 : i32
      %dma_wait3A_554 = tpu.memref_slice %arg4[%dma_wait3A_552, %dma_wait3A_553] : memref<5x256xf32, #tpu.memory_space<vmem>> -> memref<1x256xf32, #tpu.memory_space<vmem>>
      %dma_wait3A_555 = arith.constant 0 : i32
      %dma_wait3A_556 = tpu.memref_slice %arg2[%add3A_10, %dma_wait3A_555] : memref<160x256xf32, #tpu.memory_space<hbm>> -> memref<1x256xf32, #tpu.memory_space<hbm>>
      %dma_wait3A_557 = arith.constant 4 : i32
      %dma_wait3A_558 = arith.constant 0 : i32
      %dma_wait3A_559 = tpu.memref_slice %arg4[%dma_wait3A_557, %dma_wait3A_558] : memref<5x256xf32, #tpu.memory_space<vmem>> -> memref<1x256xf32, #tpu.memory_space<vmem>>
      %dma_wait3A_560 = arith.constant 0 : i32
      %dma_wait3A_561 = tpu.memref_slice %arg2[%add3A_10, %dma_wait3A_560] : memref<160x256xf32, #tpu.memory_space<hbm>> -> memref<1x256xf32, #tpu.memory_space<hbm>>
      tpu.wait_dma2 semaphore(%run_scoped3A : memref<!tpu.dma_semaphore, #tpu.memory_space<semaphore_mem>>) src(%dma_wait3A_561 : memref<1x256xf32, #tpu.memory_space<hbm>>) dst(%dma_wait3A_559 : memref<1x256xf32, #tpu.memory_space<vmem>>)
      tpu.yield
    }) : () -> ()
    %get3A = arith.constant 0 : i32
    %get3A_11 = arith.index_cast %get3A : i32 to index
    %get3A_12 = arith.constant 0 : index
    %get3A_13 = tpu.vector_load %arg4[%get3A_11, %get3A_12] {strides = array<i32>} : memref<5x256xf32, #tpu.memory_space<vmem>>, vector<1x16xf32>,
    %get3A_14 = vector.shape_cast %get3A_13 : vector<1x16xf32> to vector<16xf32>
    %get3A_15 = arith.constant 0 : i32
    %get3A_16 = arith.index_cast %get3A_15 : i32 to index
    %get3A_17 = arith.constant 16 : index
    %get3A_18 = tpu.vector_load %arg4[%get3A_16, %get3A_17] {strides = array<i32>} : memref<5x256xf32, #tpu.memory_space<vmem>>, vector<1x16xf32>,
    %get3A_19 = vector.shape_cast %get3A_18 : vector<1x16xf32> to vector<16xf32>
    %get3A_20 = arith.constant 0 : i32
    %get3A_21 = arith.index_cast %get3A_20 : i32 to index
    %get3A_22 = arith.constant 32 : index
    %get3A_23 = tpu.vector_load %arg4[%get3A_21, %get3A_22] {strides = array<i32>} : memref<5x256xf32, #tpu.memory_space<vmem>>, vector<1x16xf32>,
    %get3A_24 = vector.shape_cast %get3A_23 : vector<1x16xf32> to vector<16xf32>
    %get3A_25 = arith.constant 0 : i32
    %get3A_26 = arith.index_cast %get3A_25 : i32 to index
    %get3A_27 = arith.constant 48 : index
    %get3A_28 = tpu.vector_load %arg4[%get3A_26, %get3A_27] {strides = array<i32>} : memref<5x256xf32, #tpu.memory_space<vmem>>, vector<1x16xf32>,
    %get3A_29 = vector.shape_cast %get3A_28 : vector<1x16xf32> to vector<16xf32>
    %get3A_30 = arith.constant 0 : i32
    %get3A_31 = arith.index_cast %get3A_30 : i32 to index
    %get3A_32 = arith.constant 64 : index
    %get3A_33 = tpu.vector_load %arg4[%get3A_31, %get3A_32] {strides = array<i32>} : memref<5x256xf32, #tpu.memory_space<vmem>>, vector<1x16xf32>,
    %get3A_34 = vector.shape_cast %get3A_33 : vector<1x16xf32> to vector<16xf32>
    %get3A_35 = arith.constant 0 : i32
    %get3A_36 = arith.index_cast %get3A_35 : i32 to index
    %get3A_37 = arith.constant 80 : index
    %get3A_38 = tpu.vector_load %arg4[%get3A_36, %get3A_37] {strides = array<i32>} : memref<5x256xf32, #tpu.memory_space<vmem>>, vector<1x16xf32>,
    %get3A_39 = vector.shape_cast %get3A_38 : vector<1x16xf32> to vector<16xf32>
    %get3A_40 = arith.constant 0 : i32
    %get3A_41 = arith.index_cast %get3A_40 : i32 to index
    %get3A_42 = arith.constant 96 : index
    %get3A_43 = tpu.vector_load %arg4[%get3A_41, %get3A_42] {strides = array<i32>} : memref<5x256xf32, #tpu.memory_space<vmem>>, vector<1x16xf32>,
    %get3A_44 = vector.shape_cast %get3A_43 : vector<1x16xf32> to vector<16xf32>
    %get3A_45 = arith.constant 0 : i32
    %get3A_46 = arith.index_cast %get3A_45 : i32 to index
    %get3A_47 = arith.constant 112 : index
    %get3A_48 = tpu.vector_load %arg4[%get3A_46, %get3A_47] {strides = array<i32>} : memref<5x256xf32, #tpu.memory_space<vmem>>, vector<1x16xf32>,
    %get3A_49 = vector.shape_cast %get3A_48 : vector<1x16xf32> to vector<16xf32>
    %get3A_50 = arith.constant 0 : i32
    %get3A_51 = arith.index_cast %get3A_50 : i32 to index
    %get3A_52 = arith.constant 128 : index
    %get3A_53 = tpu.vector_load %arg4[%get3A_51, %get3A_52] {strides = array<i32>} : memref<5x256xf32, #tpu.memory_space<vmem>>, vector<1x16xf32>,
    %get3A_54 = vector.shape_cast %get3A_53 : vector<1x16xf32> to vector<16xf32>
    %get3A_55 = arith.constant 0 : i32
    %get3A_56 = arith.index_cast %get3A_55 : i32 to index
    %get3A_57 = arith.constant 144 : index
    %get3A_58 = tpu.vector_load %arg4[%get3A_56, %get3A_57] {strides = array<i32>} : memref<5x256xf32, #tpu.memory_space<vmem>>, vector<1x16xf32>,
    %get3A_59 = vector.shape_cast %get3A_58 : vector<1x16xf32> to vector<16xf32>
    %get3A_60 = arith.constant 0 : i32
    %get3A_61 = arith.index_cast %get3A_60 : i32 to index
    %get3A_62 = arith.constant 160 : index
    %get3A_63 = tpu.vector_load %arg4[%get3A_61, %get3A_62] {strides = array<i32>} : memref<5x256xf32, #tpu.memory_space<vmem>>, vector<1x16xf32>,
    %get3A_64 = vector.shape_cast %get3A_63 : vector<1x16xf32> to vector<16xf32>
    %get3A_65 = arith.constant 0 : i32
    %get3A_66 = arith.index_cast %get3A_65 : i32 to index
    %get3A_67 = arith.constant 176 : index
    %get3A_68 = tpu.vector_load %arg4[%get3A_66, %get3A_67] {strides = array<i32>} : memref<5x256xf32, #tpu.memory_space<vmem>>, vector<1x16xf32>,
    %get3A_69 = vector.shape_cast %get3A_68 : vector<1x16xf32> to vector<16xf32>
    %get3A_70 = arith.constant 0 : i32
    %get3A_71 = arith.index_cast %get3A_70 : i32 to index
    %get3A_72 = arith.constant 192 : index
    %get3A_73 = tpu.vector_load %arg4[%get3A_71, %get3A_72] {strides = array<i32>} : memref<5x256xf32, #tpu.memory_space<vmem>>, vector<1x16xf32>,
    %get3A_74 = vector.shape_cast %get3A_73 : vector<1x16xf32> to vector<16xf32>
    %get3A_75 = arith.constant 0 : i32
    %get3A_76 = arith.index_cast %get3A_75 : i32 to index
    %get3A_77 = arith.constant 208 : index
    %get3A_78 = tpu.vector_load %arg4[%get3A_76, %get3A_77] {strides = array<i32>} : memref<5x256xf32, #tpu.memory_space<vmem>>, vector<1x16xf32>,
    %get3A_79 = vector.shape_cast %get3A_78 : vector<1x16xf32> to vector<16xf32>
    %get3A_80 = arith.constant 0 : i32
    %get3A_81 = arith.index_cast %get3A_80 : i32 to index
    %get3A_82 = arith.constant 224 : index
    %get3A_83 = tpu.vector_load %arg4[%get3A_81, %get3A_82] {strides = array<i32>} : memref<5x256xf32, #tpu.memory_space<vmem>>, vector<1x16xf32>,
    %get3A_84 = vector.shape_cast %get3A_83 : vector<1x16xf32> to vector<16xf32>
    %get3A_85 = arith.constant 0 : i32
    %get3A_86 = arith.index_cast %get3A_85 : i32 to index
    %get3A_87 = arith.constant 240 : index
    %get3A_88 = tpu.vector_load %arg4[%get3A_86, %get3A_87] {strides = array<i32>} : memref<5x256xf32, #tpu.memory_space<vmem>>, vector<1x16xf32>,
    %get3A_89 = vector.shape_cast %get3A_88 : vector<1x16xf32> to vector<16xf32>
    %scan3A = arith.constant 0 : i32
    %scan3A_90 = arith.constant 0 : i32
    %scan3A_91 = arith.constant 16 : i32
    %scan3A_92 = arith.addi %scan3A_90, %scan3A_91 : i32
    %scan3A_93 = arith.constant 1 : i32
    scf.for %scan3A_543 = %scan3A_90 to %scan3A_92 step %scan3A_93  : i32 {
      %swap3A = arith.index_cast %scan3A : i32 to index
      %swap3A_544 = arith.index_cast %scan3A_543 : i32 to index
      %swap3A_545 = arith.constant 0 : index
      %swap3A_546 = tpu.vector_load %arg5[%swap3A, %swap3A_544, %swap3A_545] {strides = array<i32>} : memref<5x16x256xf32, #tpu.memory_space<vmem>>, vector<1x1x16xf32>,
      %swap3A_547 = vector.shape_cast %swap3A_546 : vector<1x1x16xf32> to vector<16xf32>
      %swap3A_548 = vector.shape_cast %get3A_14 : vector<16xf32> to vector<1x1x16xf32>
      tpu.vector_store %arg5[%swap3A, %swap3A_544, %swap3A_545], %swap3A_548 {strides = array<i32>} : memref<5x16x256xf32, #tpu.memory_space<vmem>>, vector<1x1x16xf32>,
      %swap3A_549 = arith.index_cast %scan3A : i32 to index
      %swap3A_550 = arith.index_cast %scan3A_543 : i32 to index
      %swap3A_551 = arith.constant 16 : index
      %swap3A_552 = tpu.vector_load %arg5[%swap3A_549, %swap3A_550, %swap3A_551] {strides = array<i32>} : memref<5x16x256xf32, #tpu.memory_space<vmem>>, vector<1x1x16xf32>,
      %swap3A_553 = vector.shape_cast %swap3A_552 : vector<1x1x16xf32> to vector<16xf32>
      %swap3A_554 = vector.shape_cast %get3A_19 : vector<16xf32> to vector<1x1x16xf32>
      tpu.vector_store %arg5[%swap3A_549, %swap3A_550, %swap3A_551], %swap3A_554 {strides = array<i32>} : memref<5x16x256xf32, #tpu.memory_space<vmem>>, vector<1x1x16xf32>,
      %swap3A_555 = arith.index_cast %scan3A : i32 to index
      %swap3A_556 = arith.index_cast %scan3A_543 : i32 to index
      %swap3A_557 = arith.constant 32 : index
      %swap3A_558 = tpu.vector_load %arg5[%swap3A_555, %swap3A_556, %swap3A_557] {strides = array<i32>} : memref<5x16x256xf32, #tpu.memory_space<vmem>>, vector<1x1x16xf32>,
      %swap3A_559 = vector.shape_cast %swap3A_558 : vector<1x1x16xf32> to vector<16xf32>
      %swap3A_560 = vector.shape_cast %get3A_24 : vector<16xf32> to vector<1x1x16xf32>
      tpu.vector_store %arg5[%swap3A_555, %swap3A_556, %swap3A_557], %swap3A_560 {strides = array<i32>} : memref<5x16x256xf32, #tpu.memory_space<vmem>>, vector<1x1x16xf32>,
      %swap3A_561 = arith.index_cast %scan3A : i32 to index
      %swap3A_562 = arith.index_cast %scan3A_543 : i32 to index
      %swap3A_563 = arith.constant 48 : index
      %swap3A_564 = tpu.vector_load %arg5[%swap3A_561, %swap3A_562, %swap3A_563] {strides = array<i32>} : memref<5x16x256xf32, #tpu.memory_space<vmem>>, vector<1x1x16xf32>,
      %swap3A_565 = vector.shape_cast %swap3A_564 : vector<1x1x16xf32> to vector<16xf32>
      %swap3A_566 = vector.shape_cast %get3A_29 : vector<16xf32> to vector<1x1x16xf32>
      tpu.vector_store %arg5[%swap3A_561, %swap3A_562, %swap3A_563], %swap3A_566 {strides = array<i32>} : memref<5x16x256xf32, #tpu.memory_space<vmem>>, vector<1x1x16xf32>,
      %swap3A_567 = arith.index_cast %scan3A : i32 to index
      %swap3A_568 = arith.index_cast %scan3A_543 : i32 to index
      %swap3A_569 = arith.constant 64 : index
      %swap3A_570 = tpu.vector_load %arg5[%swap3A_567, %swap3A_568, %swap3A_569] {strides = array<i32>} : memref<5x16x256xf32, #tpu.memory_space<vmem>>, vector<1x1x16xf32>,
      %swap3A_571 = vector.shape_cast %swap3A_570 : vector<1x1x16xf32> to vector<16xf32>
      %swap3A_572 = vector.shape_cast %get3A_34 : vector<16xf32> to vector<1x1x16xf32>
      tpu.vector_store %arg5[%swap3A_567, %swap3A_568, %swap3A_569], %swap3A_572 {strides = array<i32>} : memref<5x16x256xf32, #tpu.memory_space<vmem>>, vector<1x1x16xf32>,
      %swap3A_573 = arith.index_cast %scan3A : i32 to index
      %swap3A_574 = arith.index_cast %scan3A_543 : i32 to index
      %swap3A_575 = arith.constant 80 : index
      %swap3A_576 = tpu.vector_load %arg5[%swap3A_573, %swap3A_574, %swap3A_575] {strides = array<i32>} : memref<5x16x256xf32, #tpu.memory_space<vmem>>, vector<1x1x16xf32>,
      %swap3A_577 = vector.shape_cast %swap3A_576 : vector<1x1x16xf32> to vector<16xf32>
      %swap3A_578 = vector.shape_cast %get3A_39 : vector<16xf32> to vector<1x1x16xf32>
      tpu.vector_store %arg5[%swap3A_573, %swap3A_574, %swap3A_575], %swap3A_578 {strides = array<i32>} : memref<5x16x256xf32, #tpu.memory_space<vmem>>, vector<1x1x16xf32>,
      %swap3A_579 = arith.index_cast %scan3A : i32 to index
      %swap3A_580 = arith.index_cast %scan3A_543 : i32 to index
      %swap3A_581 = arith.constant 96 : index
      %swap3A_582 = tpu.vector_load %arg5[%swap3A_579, %swap3A_580, %swap3A_581] {strides = array<i32>} : memref<5x16x256xf32, #tpu.memory_space<vmem>>, vector<1x1x16xf32>,
      %swap3A_583 = vector.shape_cast %swap3A_582 : vector<1x1x16xf32> to vector<16xf32>
      %swap3A_584 = vector.shape_cast %get3A_44 : vector<16xf32> to vector<1x1x16xf32>
      tpu.vector_store %arg5[%swap3A_579, %swap3A_580, %swap3A_581], %swap3A_584 {strides = array<i32>} : memref<5x16x256xf32, #tpu.memory_space<vmem>>, vector<1x1x16xf32>,
      %swap3A_585 = arith.index_cast %scan3A : i32 to index
      %swap3A_586 = arith.index_cast %scan3A_543 : i32 to index
      %swap3A_587 = arith.constant 112 : index
      %swap3A_588 = tpu.vector_load %arg5[%swap3A_585, %swap3A_586, %swap3A_587] {strides = array<i32>} : memref<5x16x256xf32, #tpu.memory_space<vmem>>, vector<1x1x16xf32>,
      %swap3A_589 = vector.shape_cast %swap3A_588 : vector<1x1x16xf32> to vector<16xf32>
      %swap3A_590 = vector.shape_cast %get3A_49 : vector<16xf32> to vector<1x1x16xf32>
      tpu.vector_store %arg5[%swap3A_585, %swap3A_586, %swap3A_587], %swap3A_590 {strides = array<i32>} : memref<5x16x256xf32, #tpu.memory_space<vmem>>, vector<1x1x16xf32>,
      %swap3A_591 = arith.index_cast %scan3A : i32 to index
      %swap3A_592 = arith.index_cast %scan3A_543 : i32 to index
      %swap3A_593 = arith.constant 128 : index
      %swap3A_594 = tpu.vector_load %arg5[%swap3A_591, %swap3A_592, %swap3A_593] {strides = array<i32>} : memref<5x16x256xf32, #tpu.memory_space<vmem>>, vector<1x1x16xf32>,
      %swap3A_595 = vector.shape_cast %swap3A_594 : vector<1x1x16xf32> to vector<16xf32>
      %swap3A_596 = vector.shape_cast %get3A_54 : vector<16xf32> to vector<1x1x16xf32>
      tpu.vector_store %arg5[%swap3A_591, %swap3A_592, %swap3A_593], %swap3A_596 {strides = array<i32>} : memref<5x16x256xf32, #tpu.memory_space<vmem>>, vector<1x1x16xf32>,
      %swap3A_597 = arith.index_cast %scan3A : i32 to index
      %swap3A_598 = arith.index_cast %scan3A_543 : i32 to index
      %swap3A_599 = arith.constant 144 : index
      %swap3A_600 = tpu.vector_load %arg5[%swap3A_597, %swap3A_598, %swap3A_599] {strides = array<i32>} : memref<5x16x256xf32, #tpu.memory_space<vmem>>, vector<1x1x16xf32>,
      %swap3A_601 = vector.shape_cast %swap3A_600 : vector<1x1x16xf32> to vector<16xf32>
      %swap3A_602 = vector.shape_cast %get3A_59 : vector<16xf32> to vector<1x1x16xf32>
      tpu.vector_store %arg5[%swap3A_597, %swap3A_598, %swap3A_599], %swap3A_602 {strides = array<i32>} : memref<5x16x256xf32, #tpu.memory_space<vmem>>, vector<1x1x16xf32>,
      %swap3A_603 = arith.index_cast %scan3A : i32 to index
      %swap3A_604 = arith.index_cast %scan3A_543 : i32 to index
      %swap3A_605 = arith.constant 160 : index
      %swap3A_606 = tpu.vector_load %arg5[%swap3A_603, %swap3A_604, %swap3A_605] {strides = array<i32>} : memref<5x16x256xf32, #tpu.memory_space<vmem>>, vector<1x1x16xf32>,
      %swap3A_607 = vector.shape_cast %swap3A_606 : vector<1x1x16xf32> to vector<16xf32>
      %swap3A_608 = vector.shape_cast %get3A_64 : vector<16xf32> to vector<1x1x16xf32>
      tpu.vector_store %arg5[%swap3A_603, %swap3A_604, %swap3A_605], %swap3A_608 {strides = array<i32>} : memref<5x16x256xf32, #tpu.memory_space<vmem>>, vector<1x1x16xf32>,
      %swap3A_609 = arith.index_cast %scan3A : i32 to index
      %swap3A_610 = arith.index_cast %scan3A_543 : i32 to index
      %swap3A_611 = arith.constant 176 : index
      %swap3A_612 = tpu.vector_load %arg5[%swap3A_609, %swap3A_610, %swap3A_611] {strides = array<i32>} : memref<5x16x256xf32, #tpu.memory_space<vmem>>, vector<1x1x16xf32>,
      %swap3A_613 = vector.shape_cast %swap3A_612 : vector<1x1x16xf32> to vector<16xf32>
      %swap3A_614 = vector.shape_cast %get3A_69 : vector<16xf32> to vector<1x1x16xf32>
      tpu.vector_store %arg5[%swap3A_609, %swap3A_610, %swap3A_611], %swap3A_614 {strides = array<i32>} : memref<5x16x256xf32, #tpu.memory_space<vmem>>, vector<1x1x16xf32>,
      %swap3A_615 = arith.index_cast %scan3A : i32 to index
      %swap3A_616 = arith.index_cast %scan3A_543 : i32 to index
      %swap3A_617 = arith.constant 192 : index
      %swap3A_618 = tpu.vector_load %arg5[%swap3A_615, %swap3A_616, %swap3A_617] {strides = array<i32>} : memref<5x16x256xf32, #tpu.memory_space<vmem>>, vector<1x1x16xf32>,
      %swap3A_619 = vector.shape_cast %swap3A_618 : vector<1x1x16xf32> to vector<16xf32>
      %swap3A_620 = vector.shape_cast %get3A_74 : vector<16xf32> to vector<1x1x16xf32>
      tpu.vector_store %arg5[%swap3A_615, %swap3A_616, %swap3A_617], %swap3A_620 {strides = array<i32>} : memref<5x16x256xf32, #tpu.memory_space<vmem>>, vector<1x1x16xf32>,
      %swap3A_621 = arith.index_cast %scan3A : i32 to index
      %swap3A_622 = arith.index_cast %scan3A_543 : i32 to index
      %swap3A_623 = arith.constant 208 : index
      %swap3A_624 = tpu.vector_load %arg5[%swap3A_621, %swap3A_622, %swap3A_623] {strides = array<i32>} : memref<5x16x256xf32, #tpu.memory_space<vmem>>, vector<1x1x16xf32>,
      %swap3A_625 = vector.shape_cast %swap3A_624 : vector<1x1x16xf32> to vector<16xf32>
      %swap3A_626 = vector.shape_cast %get3A_79 : vector<16xf32> to vector<1x1x16xf32>
      tpu.vector_store %arg5[%swap3A_621, %swap3A_622, %swap3A_623], %swap3A_626 {strides = array<i32>} : memref<5x16x256xf32, #tpu.memory_space<vmem>>, vector<1x1x16xf32>,
      %swap3A_627 = arith.index_cast %scan3A : i32 to index
      %swap3A_628 = arith.index_cast %scan3A_543 : i32 to index
      %swap3A_629 = arith.constant 224 : index
      %swap3A_630 = tpu.vector_load %arg5[%swap3A_627, %swap3A_628, %swap3A_629] {strides = array<i32>} : memref<5x16x256xf32, #tpu.memory_space<vmem>>, vector<1x1x16xf32>,
      %swap3A_631 = vector.shape_cast %swap3A_630 : vector<1x1x16xf32> to vector<16xf32>
      %swap3A_632 = vector.shape_cast %get3A_84 : vector<16xf32> to vector<1x1x16xf32>
      tpu.vector_store %arg5[%swap3A_627, %swap3A_628, %swap3A_629], %swap3A_632 {strides = array<i32>} : memref<5x16x256xf32, #tpu.memory_space<vmem>>, vector<1x1x16xf32>,
      %swap3A_633 = arith.index_cast %scan3A : i32 to index
      %swap3A_634 = arith.index_cast %scan3A_543 : i32 to index
      %swap3A_635 = arith.constant 240 : index
      %swap3A_636 = tpu.vector_load %arg5[%swap3A_633, %swap3A_634, %swap3A_635] {strides = array<i32>} : memref<5x16x256xf32, #tpu.memory_space<vmem>>, vector<1x1x16xf32>,
      %swap3A_637 = vector.shape_cast %swap3A_636 : vector<1x1x16xf32> to vector<16xf32>
      %swap3A_638 = vector.shape_cast %get3A_89 : vector<16xf32> to vector<1x1x16xf32>
      tpu.vector_store %arg5[%swap3A_633, %swap3A_634, %swap3A_635], %swap3A_638 {strides = array<i32>} : memref<5x16x256xf32, #tpu.memory_space<vmem>>, vector<1x1x16xf32>,
    }
    %scan3A_94 = arith.constant 16 : i32
    %add3A_95 = arith.constant 0 : i32
    %add3A_96 = arith.addi %add3A, %add3A_95 : i32
    %scan3A_97 = arith.constant 0 : i32
    %scan3A_98 = arith.constant 0 : i32
    %scan3A_99 = arith.constant 256 : i32
    %scan3A_100 = arith.addi %scan3A_98, %scan3A_99 : i32
    %scan3A_101 = arith.constant 1 : i32
    scf.for %scan3A_543 = %scan3A_98 to %scan3A_100 step %scan3A_101  : i32 {
      %mul3A_544 = arith.constant 16 : i32
      %mul3A_545 = arith.muli %scan3A_543, %mul3A_544 : i32
      %dma_start3A = arith.constant 0 : i32
      %dma_start3A_546 = arith.constant 0 : i32
      %dma_start3A_547 = tpu.memref_slice %arg5[%scan3A_97, %dma_start3A, %dma_start3A_546] : memref<5x16x256xf32, #tpu.memory_space<vmem>> -> memref<1x16x256xf32, #tpu.memory_space<vmem>>
      %dma_start3A_548 = tpu.memref_squeeze %dma_start3A_547 : memref<1x16x256xf32, #tpu.memory_space<vmem>> -> memref<16x256xf32, #tpu.memory_space<vmem>>
      %dma_start3A_549 = arith.constant 0 : i32
      %dma_start3A_550 = tpu.memref_slice %arg3[%add3A_96, %mul3A_545, %dma_start3A_549] : memref<160x4096x256xf32, #tpu.memory_space<hbm>> -> memref<1x16x256xf32, #tpu.memory_space<hbm>>
      %dma_start3A_551 = tpu.memref_squeeze %dma_start3A_550 : memref<1x16x256xf32, #tpu.memory_space<hbm>> -> memref<16x256xf32, #tpu.memory_space<hbm>>
      %dma_start3A_552 = tpu.memref_slice %arg6[%scan3A_97] : memref<5x!tpu.dma_semaphore, #tpu.memory_space<semaphore_mem>> -> memref<1x!tpu.dma_semaphore, #tpu.memory_space<semaphore_mem>>
      %dma_start3A_553 = tpu.memref_squeeze %dma_start3A_552 : memref<1x!tpu.dma_semaphore, #tpu.memory_space<semaphore_mem>> -> memref<!tpu.dma_semaphore, #tpu.memory_space<semaphore_mem>>
      %dma_start3A_554 = arith.constant 0 : i32
      %dma_start3A_555 = tpu.memref_slice %arg3[%add3A_96, %mul3A_545, %dma_start3A_554] : memref<160x4096x256xf32, #tpu.memory_space<hbm>> -> memref<1x16x256xf32, #tpu.memory_space<hbm>>
      %dma_start3A_556 = tpu.memref_squeeze %dma_start3A_555 : memref<1x16x256xf32, #tpu.memory_space<hbm>> -> memref<16x256xf32, #tpu.memory_space<hbm>>
      %dma_start3A_557 = arith.constant 0 : i32
      %dma_start3A_558 = arith.constant 0 : i32
      %dma_start3A_559 = tpu.memref_slice %arg5[%scan3A_97, %dma_start3A_557, %dma_start3A_558] : memref<5x16x256xf32, #tpu.memory_space<vmem>> -> memref<1x16x256xf32, #tpu.memory_space<vmem>>
      %dma_start3A_560 = tpu.memref_squeeze %dma_start3A_559 : memref<1x16x256xf32, #tpu.memory_space<vmem>> -> memref<16x256xf32, #tpu.memory_space<vmem>>
      tpu.enqueue_dma source(%dma_start3A_560 : memref<16x256xf32, #tpu.memory_space<vmem>>) target(%dma_start3A_556 : memref<16x256xf32, #tpu.memory_space<hbm>>) target_semaphore(%dma_start3A_553 : memref<!tpu.dma_semaphore, #tpu.memory_space<semaphore_mem>>)
    }
    %scan3A_102 = arith.constant 256 : i32
    %get3A_103 = arith.constant 1 : i32
    %get3A_104 = arith.index_cast %get3A_103 : i32 to index
    %get3A_105 = arith.constant 0 : index
    %get3A_106 = tpu.vector_load %arg4[%get3A_104, %get3A_105] {strides = array<i32>} : memref<5x256xf32, #tpu.memory_space<vmem>>, vector<1x16xf32>,
    %get3A_107 = vector.shape_cast %get3A_106 : vector<1x16xf32> to vector<16xf32>
    %get3A_108 = arith.constant 1 : i32
    %get3A_109 = arith.index_cast %get3A_108 : i32 to index
    %get3A_110 = arith.constant 16 : index
    %get3A_111 = tpu.vector_load %arg4[%get3A_109, %get3A_110] {strides = array<i32>} : memref<5x256xf32, #tpu.memory_space<vmem>>, vector<1x16xf32>,
    %get3A_112 = vector.shape_cast %get3A_111 : vector<1x16xf32> to vector<16xf32>
    %get3A_113 = arith.constant 1 : i32
    %get3A_114 = arith.index_cast %get3A_113 : i32 to index
    %get3A_115 = arith.constant 32 : index
    %get3A_116 = tpu.vector_load %arg4[%get3A_114, %get3A_115] {strides = array<i32>} : memref<5x256xf32, #tpu.memory_space<vmem>>, vector<1x16xf32>,
    %get3A_117 = vector.shape_cast %get3A_116 : vector<1x16xf32> to vector<16xf32>
    %get3A_118 = arith.constant 1 : i32
    %get3A_119 = arith.index_cast %get3A_118 : i32 to index
    %get3A_120 = arith.constant 48 : index
    %get3A_121 = tpu.vector_load %arg4[%get3A_119, %get3A_120] {strides = array<i32>} : memref<5x256xf32, #tpu.memory_space<vmem>>, vector<1x16xf32>,
    %get3A_122 = vector.shape_cast %get3A_121 : vector<1x16xf32> to vector<16xf32>
    %get3A_123 = arith.constant 1 : i32
    %get3A_124 = arith.index_cast %get3A_123 : i32 to index
    %get3A_125 = arith.constant 64 : index
    %get3A_126 = tpu.vector_load %arg4[%get3A_124, %get3A_125] {strides = array<i32>} : memref<5x256xf32, #tpu.memory_space<vmem>>, vector<1x16xf32>,
    %get3A_127 = vector.shape_cast %get3A_126 : vector<1x16xf32> to vector<16xf32>
    %get3A_128 = arith.constant 1 : i32
    %get3A_129 = arith.index_cast %get3A_128 : i32 to index
    %get3A_130 = arith.constant 80 : index
    %get3A_131 = tpu.vector_load %arg4[%get3A_129, %get3A_130] {strides = array<i32>} : memref<5x256xf32, #tpu.memory_space<vmem>>, vector<1x16xf32>,
    %get3A_132 = vector.shape_cast %get3A_131 : vector<1x16xf32> to vector<16xf32>
    %get3A_133 = arith.constant 1 : i32
    %get3A_134 = arith.index_cast %get3A_133 : i32 to index
    %get3A_135 = arith.constant 96 : index
    %get3A_136 = tpu.vector_load %arg4[%get3A_134, %get3A_135] {strides = array<i32>} : memref<5x256xf32, #tpu.memory_space<vmem>>, vector<1x16xf32>,
    %get3A_137 = vector.shape_cast %get3A_136 : vector<1x16xf32> to vector<16xf32>
    %get3A_138 = arith.constant 1 : i32
    %get3A_139 = arith.index_cast %get3A_138 : i32 to index
    %get3A_140 = arith.constant 112 : index
    %get3A_141 = tpu.vector_load %arg4[%get3A_139, %get3A_140] {strides = array<i32>} : memref<5x256xf32, #tpu.memory_space<vmem>>, vector<1x16xf32>,
    %get3A_142 = vector.shape_cast %get3A_141 : vector<1x16xf32> to vector<16xf32>
    %get3A_143 = arith.constant 1 : i32
    %get3A_144 = arith.index_cast %get3A_143 : i32 to index
    %get3A_145 = arith.constant 128 : index
    %get3A_146 = tpu.vector_load %arg4[%get3A_144, %get3A_145] {strides = array<i32>} : memref<5x256xf32, #tpu.memory_space<vmem>>, vector<1x16xf32>,
    %get3A_147 = vector.shape_cast %get3A_146 : vector<1x16xf32> to vector<16xf32>
    %get3A_148 = arith.constant 1 : i32
    %get3A_149 = arith.index_cast %get3A_148 : i32 to index
    %get3A_150 = arith.constant 144 : index
    %get3A_151 = tpu.vector_load %arg4[%get3A_149, %get3A_150] {strides = array<i32>} : memref<5x256xf32, #tpu.memory_space<vmem>>, vector<1x16xf32>,
    %get3A_152 = vector.shape_cast %get3A_151 : vector<1x16xf32> to vector<16xf32>
    %get3A_153 = arith.constant 1 : i32
    %get3A_154 = arith.index_cast %get3A_153 : i32 to index
    %get3A_155 = arith.constant 160 : index
    %get3A_156 = tpu.vector_load %arg4[%get3A_154, %get3A_155] {strides = array<i32>} : memref<5x256xf32, #tpu.memory_space<vmem>>, vector<1x16xf32>,
    %get3A_157 = vector.shape_cast %get3A_156 : vector<1x16xf32> to vector<16xf32>
    %get3A_158 = arith.constant 1 : i32
    %get3A_159 = arith.index_cast %get3A_158 : i32 to index
    %get3A_160 = arith.constant 176 : index
    %get3A_161 = tpu.vector_load %arg4[%get3A_159, %get3A_160] {strides = array<i32>} : memref<5x256xf32, #tpu.memory_space<vmem>>, vector<1x16xf32>,
    %get3A_162 = vector.shape_cast %get3A_161 : vector<1x16xf32> to vector<16xf32>
    %get3A_163 = arith.constant 1 : i32
    %get3A_164 = arith.index_cast %get3A_163 : i32 to index
    %get3A_165 = arith.constant 192 : index
    %get3A_166 = tpu.vector_load %arg4[%get3A_164, %get3A_165] {strides = array<i32>} : memref<5x256xf32, #tpu.memory_space<vmem>>, vector<1x16xf32>,
    %get3A_167 = vector.shape_cast %get3A_166 : vector<1x16xf32> to vector<16xf32>
    %get3A_168 = arith.constant 1 : i32
    %get3A_169 = arith.index_cast %get3A_168 : i32 to index
    %get3A_170 = arith.constant 208 : index
    %get3A_171 = tpu.vector_load %arg4[%get3A_169, %get3A_170] {strides = array<i32>} : memref<5x256xf32, #tpu.memory_space<vmem>>, vector<1x16xf32>,
    %get3A_172 = vector.shape_cast %get3A_171 : vector<1x16xf32> to vector<16xf32>
    %get3A_173 = arith.constant 1 : i32
    %get3A_174 = arith.index_cast %get3A_173 : i32 to index
    %get3A_175 = arith.constant 224 : index
    %get3A_176 = tpu.vector_load %arg4[%get3A_174, %get3A_175] {strides = array<i32>} : memref<5x256xf32, #tpu.memory_space<vmem>>, vector<1x16xf32>,
    %get3A_177 = vector.shape_cast %get3A_176 : vector<1x16xf32> to vector<16xf32>
    %get3A_178 = arith.constant 1 : i32
    %get3A_179 = arith.index_cast %get3A_178 : i32 to index
    %get3A_180 = arith.constant 240 : index
    %get3A_181 = tpu.vector_load %arg4[%get3A_179, %get3A_180] {strides = array<i32>} : memref<5x256xf32, #tpu.memory_space<vmem>>, vector<1x16xf32>,
    %get3A_182 = vector.shape_cast %get3A_181 : vector<1x16xf32> to vector<16xf32>
    %scan3A_183 = arith.constant 1 : i32
    %scan3A_184 = arith.constant 0 : i32
    %scan3A_185 = arith.constant 16 : i32
    %scan3A_186 = arith.addi %scan3A_184, %scan3A_185 : i32
    %scan3A_187 = arith.constant 1 : i32
    scf.for %scan3A_543 = %scan3A_184 to %scan3A_186 step %scan3A_187  : i32 {
      %swap3A = arith.index_cast %scan3A_183 : i32 to index
      %swap3A_544 = arith.index_cast %scan3A_543 : i32 to index
      %swap3A_545 = arith.constant 0 : index
      %swap3A_546 = tpu.vector_load %arg5[%swap3A, %swap3A_544, %swap3A_545] {strides = array<i32>} : memref<5x16x256xf32, #tpu.memory_space<vmem>>, vector<1x1x16xf32>,
      %swap3A_547 = vector.shape_cast %swap3A_546 : vector<1x1x16xf32> to vector<16xf32>
      %swap3A_548 = vector.shape_cast %get3A_107 : vector<16xf32> to vector<1x1x16xf32>
      tpu.vector_store %arg5[%swap3A, %swap3A_544, %swap3A_545], %swap3A_548 {strides = array<i32>} : memref<5x16x256xf32, #tpu.memory_space<vmem>>, vector<1x1x16xf32>,
      %swap3A_549 = arith.index_cast %scan3A_183 : i32 to index
      %swap3A_550 = arith.index_cast %scan3A_543 : i32 to index
      %swap3A_551 = arith.constant 16 : index
      %swap3A_552 = tpu.vector_load %arg5[%swap3A_549, %swap3A_550, %swap3A_551] {strides = array<i32>} : memref<5x16x256xf32, #tpu.memory_space<vmem>>, vector<1x1x16xf32>,
      %swap3A_553 = vector.shape_cast %swap3A_552 : vector<1x1x16xf32> to vector<16xf32>
      %swap3A_554 = vector.shape_cast %get3A_112 : vector<16xf32> to vector<1x1x16xf32>
      tpu.vector_store %arg5[%swap3A_549, %swap3A_550, %swap3A_551], %swap3A_554 {strides = array<i32>} : memref<5x16x256xf32, #tpu.memory_space<vmem>>, vector<1x1x16xf32>,
      %swap3A_555 = arith.index_cast %scan3A_183 : i32 to index
      %swap3A_556 = arith.index_cast %scan3A_543 : i32 to index
      %swap3A_557 = arith.constant 32 : index
      %swap3A_558 = tpu.vector_load %arg5[%swap3A_555, %swap3A_556, %swap3A_557] {strides = array<i32>} : memref<5x16x256xf32, #tpu.memory_space<vmem>>, vector<1x1x16xf32>,
      %swap3A_559 = vector.shape_cast %swap3A_558 : vector<1x1x16xf32> to vector<16xf32>
      %swap3A_560 = vector.shape_cast %get3A_117 : vector<16xf32> to vector<1x1x16xf32>
      tpu.vector_store %arg5[%swap3A_555, %swap3A_556, %swap3A_557], %swap3A_560 {strides = array<i32>} : memref<5x16x256xf32, #tpu.memory_space<vmem>>, vector<1x1x16xf32>,
      %swap3A_561 = arith.index_cast %scan3A_183 : i32 to index
      %swap3A_562 = arith.index_cast %scan3A_543 : i32 to index
      %swap3A_563 = arith.constant 48 : index
      %swap3A_564 = tpu.vector_load %arg5[%swap3A_561, %swap3A_562, %swap3A_563] {strides = array<i32>} : memref<5x16x256xf32, #tpu.memory_space<vmem>>, vector<1x1x16xf32>,
      %swap3A_565 = vector.shape_cast %swap3A_564 : vector<1x1x16xf32> to vector<16xf32>
      %swap3A_566 = vector.shape_cast %get3A_122 : vector<16xf32> to vector<1x1x16xf32>
      tpu.vector_store %arg5[%swap3A_561, %swap3A_562, %swap3A_563], %swap3A_566 {strides = array<i32>} : memref<5x16x256xf32, #tpu.memory_space<vmem>>, vector<1x1x16xf32>,
      %swap3A_567 = arith.index_cast %scan3A_183 : i32 to index
      %swap3A_568 = arith.index_cast %scan3A_543 : i32 to index
      %swap3A_569 = arith.constant 64 : index
      %swap3A_570 = tpu.vector_load %arg5[%swap3A_567, %swap3A_568, %swap3A_569] {strides = array<i32>} : memref<5x16x256xf32, #tpu.memory_space<vmem>>, vector<1x1x16xf32>,
      %swap3A_571 = vector.shape_cast %swap3A_570 : vector<1x1x16xf32> to vector<16xf32>
      %swap3A_572 = vector.shape_cast %get3A_127 : vector<16xf32> to vector<1x1x16xf32>
      tpu.vector_store %arg5[%swap3A_567, %swap3A_568, %swap3A_569], %swap3A_572 {strides = array<i32>} : memref<5x16x256xf32, #tpu.memory_space<vmem>>, vector<1x1x16xf32>,
      %swap3A_573 = arith.index_cast %scan3A_183 : i32 to index
      %swap3A_574 = arith.index_cast %scan3A_543 : i32 to index
      %swap3A_575 = arith.constant 80 : index
      %swap3A_576 = tpu.vector_load %arg5[%swap3A_573, %swap3A_574, %swap3A_575] {strides = array<i32>} : memref<5x16x256xf32, #tpu.memory_space<vmem>>, vector<1x1x16xf32>,
      %swap3A_577 = vector.shape_cast %swap3A_576 : vector<1x1x16xf32> to vector<16xf32>
      %swap3A_578 = vector.shape_cast %get3A_132 : vector<16xf32> to vector<1x1x16xf32>
      tpu.vector_store %arg5[%swap3A_573, %swap3A_574, %swap3A_575], %swap3A_578 {strides = array<i32>} : memref<5x16x256xf32, #tpu.memory_space<vmem>>, vector<1x1x16xf32>,
      %swap3A_579 = arith.index_cast %scan3A_183 : i32 to index
      %swap3A_580 = arith.index_cast %scan3A_543 : i32 to index
      %swap3A_581 = arith.constant 96 : index
      %swap3A_582 = tpu.vector_load %arg5[%swap3A_579, %swap3A_580, %swap3A_581] {strides = array<i32>} : memref<5x16x256xf32, #tpu.memory_space<vmem>>, vector<1x1x16xf32>,
      %swap3A_583 = vector.shape_cast %swap3A_582 : vector<1x1x16xf32> to vector<16xf32>
      %swap3A_584 = vector.shape_cast %get3A_137 : vector<16xf32> to vector<1x1x16xf32>
      tpu.vector_store %arg5[%swap3A_579, %swap3A_580, %swap3A_581], %swap3A_584 {strides = array<i32>} : memref<5x16x256xf32, #tpu.memory_space<vmem>>, vector<1x1x16xf32>,
      %swap3A_585 = arith.index_cast %scan3A_183 : i32 to index
      %swap3A_586 = arith.index_cast %scan3A_543 : i32 to index
      %swap3A_587 = arith.constant 112 : index
      %swap3A_588 = tpu.vector_load %arg5[%swap3A_585, %swap3A_586, %swap3A_587] {strides = array<i32>} : memref<5x16x256xf32, #tpu.memory_space<vmem>>, vector<1x1x16xf32>,
      %swap3A_589 = vector.shape_cast %swap3A_588 : vector<1x1x16xf32> to vector<16xf32>
      %swap3A_590 = vector.shape_cast %get3A_142 : vector<16xf32> to vector<1x1x16xf32>
      tpu.vector_store %arg5[%swap3A_585, %swap3A_586, %swap3A_587], %swap3A_590 {strides = array<i32>} : memref<5x16x256xf32, #tpu.memory_space<vmem>>, vector<1x1x16xf32>,
      %swap3A_591 = arith.index_cast %scan3A_183 : i32 to index
      %swap3A_592 = arith.index_cast %scan3A_543 : i32 to index
      %swap3A_593 = arith.constant 128 : index
      %swap3A_594 = tpu.vector_load %arg5[%swap3A_591, %swap3A_592, %swap3A_593] {strides = array<i32>} : memref<5x16x256xf32, #tpu.memory_space<vmem>>, vector<1x1x16xf32>,
      %swap3A_595 = vector.shape_cast %swap3A_594 : vector<1x1x16xf32> to vector<16xf32>
      %swap3A_596 = vector.shape_cast %get3A_147 : vector<16xf32> to vector<1x1x16xf32>
      tpu.vector_store %arg5[%swap3A_591, %swap3A_592, %swap3A_593], %swap3A_596 {strides = array<i32>} : memref<5x16x256xf32, #tpu.memory_space<vmem>>, vector<1x1x16xf32>,
      %swap3A_597 = arith.index_cast %scan3A_183 : i32 to index
      %swap3A_598 = arith.index_cast %scan3A_543 : i32 to index
      %swap3A_599 = arith.constant 144 : index
      %swap3A_600 = tpu.vector_load %arg5[%swap3A_597, %swap3A_598, %swap3A_599] {strides = array<i32>} : memref<5x16x256xf32, #tpu.memory_space<vmem>>, vector<1x1x16xf32>,
      %swap3A_601 = vector.shape_cast %swap3A_600 : vector<1x1x16xf32> to vector<16xf32>
      %swap3A_602 = vector.shape_cast %get3A_152 : vector<16xf32> to vector<1x1x16xf32>
      tpu.vector_store %arg5[%swap3A_597, %swap3A_598, %swap3A_599], %swap3A_602 {strides = array<i32>} : memref<5x16x256xf32, #tpu.memory_space<vmem>>, vector<1x1x16xf32>,
      %swap3A_603 = arith.index_cast %scan3A_183 : i32 to index
      %swap3A_604 = arith.index_cast %scan3A_543 : i32 to index
      %swap3A_605 = arith.constant 160 : index
      %swap3A_606 = tpu.vector_load %arg5[%swap3A_603, %swap3A_604, %swap3A_605] {strides = array<i32>} : memref<5x16x256xf32, #tpu.memory_space<vmem>>, vector<1x1x16xf32>,
      %swap3A_607 = vector.shape_cast %swap3A_606 : vector<1x1x16xf32> to vector<16xf32>
      %swap3A_608 = vector.shape_cast %get3A_157 : vector<16xf32> to vector<1x1x16xf32>
      tpu.vector_store %arg5[%swap3A_603, %swap3A_604, %swap3A_605], %swap3A_608 {strides = array<i32>} : memref<5x16x256xf32, #tpu.memory_space<vmem>>, vector<1x1x16xf32>,
      %swap3A_609 = arith.index_cast %scan3A_183 : i32 to index
      %swap3A_610 = arith.index_cast %scan3A_543 : i32 to index
      %swap3A_611 = arith.constant 176 : index
      %swap3A_612 = tpu.vector_load %arg5[%swap3A_609, %swap3A_610, %swap3A_611] {strides = array<i32>} : memref<5x16x256xf32, #tpu.memory_space<vmem>>, vector<1x1x16xf32>,
      %swap3A_613 = vector.shape_cast %swap3A_612 : vector<1x1x16xf32> to vector<16xf32>
      %swap3A_614 = vector.shape_cast %get3A_162 : vector<16xf32> to vector<1x1x16xf32>
      tpu.vector_store %arg5[%swap3A_609, %swap3A_610, %swap3A_611], %swap3A_614 {strides = array<i32>} : memref<5x16x256xf32, #tpu.memory_space<vmem>>, vector<1x1x16xf32>,
      %swap3A_615 = arith.index_cast %scan3A_183 : i32 to index
      %swap3A_616 = arith.index_cast %scan3A_543 : i32 to index
      %swap3A_617 = arith.constant 192 : index
      %swap3A_618 = tpu.vector_load %arg5[%swap3A_615, %swap3A_616, %swap3A_617] {strides = array<i32>} : memref<5x16x256xf32, #tpu.memory_space<vmem>>, vector<1x1x16xf32>,
      %swap3A_619 = vector.shape_cast %swap3A_618 : vector<1x1x16xf32> to vector<16xf32>
      %swap3A_620 = vector.shape_cast %get3A_167 : vector<16xf32> to vector<1x1x16xf32>
      tpu.vector_store %arg5[%swap3A_615, %swap3A_616, %swap3A_617], %swap3A_620 {strides = array<i32>} : memref<5x16x256xf32, #tpu.memory_space<vmem>>, vector<1x1x16xf32>,
      %swap3A_621 = arith.index_cast %scan3A_183 : i32 to index
      %swap3A_622 = arith.index_cast %scan3A_543 : i32 to index
      %swap3A_623 = arith.constant 208 : index
      %swap3A_624 = tpu.vector_load %arg5[%swap3A_621, %swap3A_622, %swap3A_623] {strides = array<i32>} : memref<5x16x256xf32, #tpu.memory_space<vmem>>, vector<1x1x16xf32>,
      %swap3A_625 = vector.shape_cast %swap3A_624 : vector<1x1x16xf32> to vector<16xf32>
      %swap3A_626 = vector.shape_cast %get3A_172 : vector<16xf32> to vector<1x1x16xf32>
      tpu.vector_store %arg5[%swap3A_621, %swap3A_622, %swap3A_623], %swap3A_626 {strides = array<i32>} : memref<5x16x256xf32, #tpu.memory_space<vmem>>, vector<1x1x16xf32>,
      %swap3A_627 = arith.index_cast %scan3A_183 : i32 to index
      %swap3A_628 = arith.index_cast %scan3A_543 : i32 to index
      %swap3A_629 = arith.constant 224 : index
      %swap3A_630 = tpu.vector_load %arg5[%swap3A_627, %swap3A_628, %swap3A_629] {strides = array<i32>} : memref<5x16x256xf32, #tpu.memory_space<vmem>>, vector<1x1x16xf32>,
      %swap3A_631 = vector.shape_cast %swap3A_630 : vector<1x1x16xf32> to vector<16xf32>
      %swap3A_632 = vector.shape_cast %get3A_177 : vector<16xf32> to vector<1x1x16xf32>
      tpu.vector_store %arg5[%swap3A_627, %swap3A_628, %swap3A_629], %swap3A_632 {strides = array<i32>} : memref<5x16x256xf32, #tpu.memory_space<vmem>>, vector<1x1x16xf32>,
      %swap3A_633 = arith.index_cast %scan3A_183 : i32 to index
      %swap3A_634 = arith.index_cast %scan3A_543 : i32 to index
      %swap3A_635 = arith.constant 240 : index
      %swap3A_636 = tpu.vector_load %arg5[%swap3A_633, %swap3A_634, %swap3A_635] {strides = array<i32>} : memref<5x16x256xf32, #tpu.memory_space<vmem>>, vector<1x1x16xf32>,
      %swap3A_637 = vector.shape_cast %swap3A_636 : vector<1x1x16xf32> to vector<16xf32>
      %swap3A_638 = vector.shape_cast %get3A_182 : vector<16xf32> to vector<1x1x16xf32>
      tpu.vector_store %arg5[%swap3A_633, %swap3A_634, %swap3A_635], %swap3A_638 {strides = array<i32>} : memref<5x16x256xf32, #tpu.memory_space<vmem>>, vector<1x1x16xf32>,
    }
    %scan3A_188 = arith.constant 16 : i32
    %add3A_189 = arith.constant 32 : i32
    %add3A_190 = arith.addi %add3A, %add3A_189 : i32
    %scan3A_191 = arith.constant 1 : i32
    %scan3A_192 = arith.constant 0 : i32
    %scan3A_193 = arith.constant 256 : i32
    %scan3A_194 = arith.addi %scan3A_192, %scan3A_193 : i32
    %scan3A_195 = arith.constant 1 : i32
    scf.for %scan3A_543 = %scan3A_192 to %scan3A_194 step %scan3A_195  : i32 {
      %mul3A_544 = arith.constant 16 : i32
      %mul3A_545 = arith.muli %scan3A_543, %mul3A_544 : i32
      %dma_start3A = arith.constant 0 : i32
      %dma_start3A_546 = arith.constant 0 : i32
      %dma_start3A_547 = tpu.memref_slice %arg5[%scan3A_191, %dma_start3A, %dma_start3A_546] : memref<5x16x256xf32, #tpu.memory_space<vmem>> -> memref<1x16x256xf32, #tpu.memory_space<vmem>>
      %dma_start3A_548 = tpu.memref_squeeze %dma_start3A_547 : memref<1x16x256xf32, #tpu.memory_space<vmem>> -> memref<16x256xf32, #tpu.memory_space<vmem>>
      %dma_start3A_549 = arith.constant 0 : i32
      %dma_start3A_550 = tpu.memref_slice %arg3[%add3A_190, %mul3A_545, %dma_start3A_549] : memref<160x4096x256xf32, #tpu.memory_space<hbm>> -> memref<1x16x256xf32, #tpu.memory_space<hbm>>
      %dma_start3A_551 = tpu.memref_squeeze %dma_start3A_550 : memref<1x16x256xf32, #tpu.memory_space<hbm>> -> memref<16x256xf32, #tpu.memory_space<hbm>>
      %dma_start3A_552 = tpu.memref_slice %arg6[%scan3A_191] : memref<5x!tpu.dma_semaphore, #tpu.memory_space<semaphore_mem>> -> memref<1x!tpu.dma_semaphore, #tpu.memory_space<semaphore_mem>>
      %dma_start3A_553 = tpu.memref_squeeze %dma_start3A_552 : memref<1x!tpu.dma_semaphore, #tpu.memory_space<semaphore_mem>> -> memref<!tpu.dma_semaphore, #tpu.memory_space<semaphore_mem>>
      %dma_start3A_554 = arith.constant 0 : i32
      %dma_start3A_555 = tpu.memref_slice %arg3[%add3A_190, %mul3A_545, %dma_start3A_554] : memref<160x4096x256xf32, #tpu.memory_space<hbm>> -> memref<1x16x256xf32, #tpu.memory_space<hbm>>
      %dma_start3A_556 = tpu.memref_squeeze %dma_start3A_555 : memref<1x16x256xf32, #tpu.memory_space<hbm>> -> memref<16x256xf32, #tpu.memory_space<hbm>>
      %dma_start3A_557 = arith.constant 0 : i32
      %dma_start3A_558 = arith.constant 0 : i32
      %dma_start3A_559 = tpu.memref_slice %arg5[%scan3A_191, %dma_start3A_557, %dma_start3A_558] : memref<5x16x256xf32, #tpu.memory_space<vmem>> -> memref<1x16x256xf32, #tpu.memory_space<vmem>>
      %dma_start3A_560 = tpu.memref_squeeze %dma_start3A_559 : memref<1x16x256xf32, #tpu.memory_space<vmem>> -> memref<16x256xf32, #tpu.memory_space<vmem>>
      tpu.enqueue_dma source(%dma_start3A_560 : memref<16x256xf32, #tpu.memory_space<vmem>>) target(%dma_start3A_556 : memref<16x256xf32, #tpu.memory_space<hbm>>) target_semaphore(%dma_start3A_553 : memref<!tpu.dma_semaphore, #tpu.memory_space<semaphore_mem>>)
    }
    %scan3A_196 = arith.constant 256 : i32
    %get3A_197 = arith.constant 2 : i32
    %get3A_198 = arith.index_cast %get3A_197 : i32 to index
    %get3A_199 = arith.constant 0 : index
    %get3A_200 = tpu.vector_load %arg4[%get3A_198, %get3A_199] {strides = array<i32>} : memref<5x256xf32, #tpu.memory_space<vmem>>, vector<1x16xf32>,
    %get3A_201 = vector.shape_cast %get3A_200 : vector<1x16xf32> to vector<16xf32>
    %get3A_202 = arith.constant 2 : i32
    %get3A_203 = arith.index_cast %get3A_202 : i32 to index
    %get3A_204 = arith.constant 16 : index
    %get3A_205 = tpu.vector_load %arg4[%get3A_203, %get3A_204] {strides = array<i32>} : memref<5x256xf32, #tpu.memory_space<vmem>>, vector<1x16xf32>,
    %get3A_206 = vector.shape_cast %get3A_205 : vector<1x16xf32> to vector<16xf32>
    %get3A_207 = arith.constant 2 : i32
    %get3A_208 = arith.index_cast %get3A_207 : i32 to index
    %get3A_209 = arith.constant 32 : index
    %get3A_210 = tpu.vector_load %arg4[%get3A_208, %get3A_209] {strides = array<i32>} : memref<5x256xf32, #tpu.memory_space<vmem>>, vector<1x16xf32>,
    %get3A_211 = vector.shape_cast %get3A_210 : vector<1x16xf32> to vector<16xf32>
    %get3A_212 = arith.constant 2 : i32
    %get3A_213 = arith.index_cast %get3A_212 : i32 to index
    %get3A_214 = arith.constant 48 : index
    %get3A_215 = tpu.vector_load %arg4[%get3A_213, %get3A_214] {strides = array<i32>} : memref<5x256xf32, #tpu.memory_space<vmem>>, vector<1x16xf32>,
    %get3A_216 = vector.shape_cast %get3A_215 : vector<1x16xf32> to vector<16xf32>
    %get3A_217 = arith.constant 2 : i32
    %get3A_218 = arith.index_cast %get3A_217 : i32 to index
    %get3A_219 = arith.constant 64 : index
    %get3A_220 = tpu.vector_load %arg4[%get3A_218, %get3A_219] {strides = array<i32>} : memref<5x256xf32, #tpu.memory_space<vmem>>, vector<1x16xf32>,
    %get3A_221 = vector.shape_cast %get3A_220 : vector<1x16xf32> to vector<16xf32>
    %get3A_222 = arith.constant 2 : i32
    %get3A_223 = arith.index_cast %get3A_222 : i32 to index
    %get3A_224 = arith.constant 80 : index
    %get3A_225 = tpu.vector_load %arg4[%get3A_223, %get3A_224] {strides = array<i32>} : memref<5x256xf32, #tpu.memory_space<vmem>>, vector<1x16xf32>,
    %get3A_226 = vector.shape_cast %get3A_225 : vector<1x16xf32> to vector<16xf32>
    %get3A_227 = arith.constant 2 : i32
    %get3A_228 = arith.index_cast %get3A_227 : i32 to index
    %get3A_229 = arith.constant 96 : index
    %get3A_230 = tpu.vector_load %arg4[%get3A_228, %get3A_229] {strides = array<i32>} : memref<5x256xf32, #tpu.memory_space<vmem>>, vector<1x16xf32>,
    %get3A_231 = vector.shape_cast %get3A_230 : vector<1x16xf32> to vector<16xf32>
    %get3A_232 = arith.constant 2 : i32
    %get3A_233 = arith.index_cast %get3A_232 : i32 to index
    %get3A_234 = arith.constant 112 : index
    %get3A_235 = tpu.vector_load %arg4[%get3A_233, %get3A_234] {strides = array<i32>} : memref<5x256xf32, #tpu.memory_space<vmem>>, vector<1x16xf32>,
    %get3A_236 = vector.shape_cast %get3A_235 : vector<1x16xf32> to vector<16xf32>
    %get3A_237 = arith.constant 2 : i32
    %get3A_238 = arith.index_cast %get3A_237 : i32 to index
    %get3A_239 = arith.constant 128 : index
    %get3A_240 = tpu.vector_load %arg4[%get3A_238, %get3A_239] {strides = array<i32>} : memref<5x256xf32, #tpu.memory_space<vmem>>, vector<1x16xf32>,
    %get3A_241 = vector.shape_cast %get3A_240 : vector<1x16xf32> to vector<16xf32>
    %get3A_242 = arith.constant 2 : i32
    %get3A_243 = arith.index_cast %get3A_242 : i32 to index
    %get3A_244 = arith.constant 144 : index
    %get3A_245 = tpu.vector_load %arg4[%get3A_243, %get3A_244] {strides = array<i32>} : memref<5x256xf32, #tpu.memory_space<vmem>>, vector<1x16xf32>,
    %get3A_246 = vector.shape_cast %get3A_245 : vector<1x16xf32> to vector<16xf32>
    %get3A_247 = arith.constant 2 : i32
    %get3A_248 = arith.index_cast %get3A_247 : i32 to index
    %get3A_249 = arith.constant 160 : index
    %get3A_250 = tpu.vector_load %arg4[%get3A_248, %get3A_249] {strides = array<i32>} : memref<5x256xf32, #tpu.memory_space<vmem>>, vector<1x16xf32>,
    %get3A_251 = vector.shape_cast %get3A_250 : vector<1x16xf32> to vector<16xf32>
    %get3A_252 = arith.constant 2 : i32
    %get3A_253 = arith.index_cast %get3A_252 : i32 to index
    %get3A_254 = arith.constant 176 : index
    %get3A_255 = tpu.vector_load %arg4[%get3A_253, %get3A_254] {strides = array<i32>} : memref<5x256xf32, #tpu.memory_space<vmem>>, vector<1x16xf32>,
    %get3A_256 = vector.shape_cast %get3A_255 : vector<1x16xf32> to vector<16xf32>
    %get3A_257 = arith.constant 2 : i32
    %get3A_258 = arith.index_cast %get3A_257 : i32 to index
    %get3A_259 = arith.constant 192 : index
    %get3A_260 = tpu.vector_load %arg4[%get3A_258, %get3A_259] {strides = array<i32>} : memref<5x256xf32, #tpu.memory_space<vmem>>, vector<1x16xf32>,
    %get3A_261 = vector.shape_cast %get3A_260 : vector<1x16xf32> to vector<16xf32>
    %get3A_262 = arith.constant 2 : i32
    %get3A_263 = arith.index_cast %get3A_262 : i32 to index
    %get3A_264 = arith.constant 208 : index
    %get3A_265 = tpu.vector_load %arg4[%get3A_263, %get3A_264] {strides = array<i32>} : memref<5x256xf32, #tpu.memory_space<vmem>>, vector<1x16xf32>,
    %get3A_266 = vector.shape_cast %get3A_265 : vector<1x16xf32> to vector<16xf32>
    %get3A_267 = arith.constant 2 : i32
    %get3A_268 = arith.index_cast %get3A_267 : i32 to index
    %get3A_269 = arith.constant 224 : index
    %get3A_270 = tpu.vector_load %arg4[%get3A_268, %get3A_269] {strides = array<i32>} : memref<5x256xf32, #tpu.memory_space<vmem>>, vector<1x16xf32>,
    %get3A_271 = vector.shape_cast %get3A_270 : vector<1x16xf32> to vector<16xf32>
    %get3A_272 = arith.constant 2 : i32
    %get3A_273 = arith.index_cast %get3A_272 : i32 to index
    %get3A_274 = arith.constant 240 : index
    %get3A_275 = tpu.vector_load %arg4[%get3A_273, %get3A_274] {strides = array<i32>} : memref<5x256xf32, #tpu.memory_space<vmem>>, vector<1x16xf32>,
    %get3A_276 = vector.shape_cast %get3A_275 : vector<1x16xf32> to vector<16xf32>
    %scan3A_277 = arith.constant 2 : i32
    %scan3A_278 = arith.constant 0 : i32
    %scan3A_279 = arith.constant 16 : i32
    %scan3A_280 = arith.addi %scan3A_278, %scan3A_279 : i32
    %scan3A_281 = arith.constant 1 : i32
    scf.for %scan3A_543 = %scan3A_278 to %scan3A_280 step %scan3A_281  : i32 {
      %swap3A = arith.index_cast %scan3A_277 : i32 to index
      %swap3A_544 = arith.index_cast %scan3A_543 : i32 to index
      %swap3A_545 = arith.constant 0 : index
      %swap3A_546 = tpu.vector_load %arg5[%swap3A, %swap3A_544, %swap3A_545] {strides = array<i32>} : memref<5x16x256xf32, #tpu.memory_space<vmem>>, vector<1x1x16xf32>,
      %swap3A_547 = vector.shape_cast %swap3A_546 : vector<1x1x16xf32> to vector<16xf32>
      %swap3A_548 = vector.shape_cast %get3A_201 : vector<16xf32> to vector<1x1x16xf32>
      tpu.vector_store %arg5[%swap3A, %swap3A_544, %swap3A_545], %swap3A_548 {strides = array<i32>} : memref<5x16x256xf32, #tpu.memory_space<vmem>>, vector<1x1x16xf32>,
      %swap3A_549 = arith.index_cast %scan3A_277 : i32 to index
      %swap3A_550 = arith.index_cast %scan3A_543 : i32 to index
      %swap3A_551 = arith.constant 16 : index
      %swap3A_552 = tpu.vector_load %arg5[%swap3A_549, %swap3A_550, %swap3A_551] {strides = array<i32>} : memref<5x16x256xf32, #tpu.memory_space<vmem>>, vector<1x1x16xf32>,
      %swap3A_553 = vector.shape_cast %swap3A_552 : vector<1x1x16xf32> to vector<16xf32>
      %swap3A_554 = vector.shape_cast %get3A_206 : vector<16xf32> to vector<1x1x16xf32>
      tpu.vector_store %arg5[%swap3A_549, %swap3A_550, %swap3A_551], %swap3A_554 {strides = array<i32>} : memref<5x16x256xf32, #tpu.memory_space<vmem>>, vector<1x1x16xf32>,
      %swap3A_555 = arith.index_cast %scan3A_277 : i32 to index
      %swap3A_556 = arith.index_cast %scan3A_543 : i32 to index
      %swap3A_557 = arith.constant 32 : index
      %swap3A_558 = tpu.vector_load %arg5[%swap3A_555, %swap3A_556, %swap3A_557] {strides = array<i32>} : memref<5x16x256xf32, #tpu.memory_space<vmem>>, vector<1x1x16xf32>,
      %swap3A_559 = vector.shape_cast %swap3A_558 : vector<1x1x16xf32> to vector<16xf32>
      %swap3A_560 = vector.shape_cast %get3A_211 : vector<16xf32> to vector<1x1x16xf32>
      tpu.vector_store %arg5[%swap3A_555, %swap3A_556, %swap3A_557], %swap3A_560 {strides = array<i32>} : memref<5x16x256xf32, #tpu.memory_space<vmem>>, vector<1x1x16xf32>,
      %swap3A_561 = arith.index_cast %scan3A_277 : i32 to index
      %swap3A_562 = arith.index_cast %scan3A_543 : i32 to index
      %swap3A_563 = arith.constant 48 : index
      %swap3A_564 = tpu.vector_load %arg5[%swap3A_561, %swap3A_562, %swap3A_563] {strides = array<i32>} : memref<5x16x256xf32, #tpu.memory_space<vmem>>, vector<1x1x16xf32>,
      %swap3A_565 = vector.shape_cast %swap3A_564 : vector<1x1x16xf32> to vector<16xf32>
      %swap3A_566 = vector.shape_cast %get3A_216 : vector<16xf32> to vector<1x1x16xf32>
      tpu.vector_store %arg5[%swap3A_561, %swap3A_562, %swap3A_563], %swap3A_566 {strides = array<i32>} : memref<5x16x256xf32, #tpu.memory_space<vmem>>, vector<1x1x16xf32>,
      %swap3A_567 = arith.index_cast %scan3A_277 : i32 to index
      %swap3A_568 = arith.index_cast %scan3A_543 : i32 to index
      %swap3A_569 = arith.constant 64 : index
      %swap3A_570 = tpu.vector_load %arg5[%swap3A_567, %swap3A_568, %swap3A_569] {strides = array<i32>} : memref<5x16x256xf32, #tpu.memory_space<vmem>>, vector<1x1x16xf32>,
      %swap3A_571 = vector.shape_cast %swap3A_570 : vector<1x1x16xf32> to vector<16xf32>
      %swap3A_572 = vector.shape_cast %get3A_221 : vector<16xf32> to vector<1x1x16xf32>
      tpu.vector_store %arg5[%swap3A_567, %swap3A_568, %swap3A_569], %swap3A_572 {strides = array<i32>} : memref<5x16x256xf32, #tpu.memory_space<vmem>>, vector<1x1x16xf32>,
      %swap3A_573 = arith.index_cast %scan3A_277 : i32 to index
      %swap3A_574 = arith.index_cast %scan3A_543 : i32 to index
      %swap3A_575 = arith.constant 80 : index
      %swap3A_576 = tpu.vector_load %arg5[%swap3A_573, %swap3A_574, %swap3A_575] {strides = array<i32>} : memref<5x16x256xf32, #tpu.memory_space<vmem>>, vector<1x1x16xf32>,
      %swap3A_577 = vector.shape_cast %swap3A_576 : vector<1x1x16xf32> to vector<16xf32>
      %swap3A_578 = vector.shape_cast %get3A_226 : vector<16xf32> to vector<1x1x16xf32>
      tpu.vector_store %arg5[%swap3A_573, %swap3A_574, %swap3A_575], %swap3A_578 {strides = array<i32>} : memref<5x16x256xf32, #tpu.memory_space<vmem>>, vector<1x1x16xf32>,
      %swap3A_579 = arith.index_cast %scan3A_277 : i32 to index
      %swap3A_580 = arith.index_cast %scan3A_543 : i32 to index
      %swap3A_581 = arith.constant 96 : index
      %swap3A_582 = tpu.vector_load %arg5[%swap3A_579, %swap3A_580, %swap3A_581] {strides = array<i32>} : memref<5x16x256xf32, #tpu.memory_space<vmem>>, vector<1x1x16xf32>,
      %swap3A_583 = vector.shape_cast %swap3A_582 : vector<1x1x16xf32> to vector<16xf32>
      %swap3A_584 = vector.shape_cast %get3A_231 : vector<16xf32> to vector<1x1x16xf32>
      tpu.vector_store %arg5[%swap3A_579, %swap3A_580, %swap3A_581], %swap3A_584 {strides = array<i32>} : memref<5x16x256xf32, #tpu.memory_space<vmem>>, vector<1x1x16xf32>,
      %swap3A_585 = arith.index_cast %scan3A_277 : i32 to index
      %swap3A_586 = arith.index_cast %scan3A_543 : i32 to index
      %swap3A_587 = arith.constant 112 : index
      %swap3A_588 = tpu.vector_load %arg5[%swap3A_585, %swap3A_586, %swap3A_587] {strides = array<i32>} : memref<5x16x256xf32, #tpu.memory_space<vmem>>, vector<1x1x16xf32>,
      %swap3A_589 = vector.shape_cast %swap3A_588 : vector<1x1x16xf32> to vector<16xf32>
      %swap3A_590 = vector.shape_cast %get3A_236 : vector<16xf32> to vector<1x1x16xf32>
      tpu.vector_store %arg5[%swap3A_585, %swap3A_586, %swap3A_587], %swap3A_590 {strides = array<i32>} : memref<5x16x256xf32, #tpu.memory_space<vmem>>, vector<1x1x16xf32>,
      %swap3A_591 = arith.index_cast %scan3A_277 : i32 to index
      %swap3A_592 = arith.index_cast %scan3A_543 : i32 to index
      %swap3A_593 = arith.constant 128 : index
      %swap3A_594 = tpu.vector_load %arg5[%swap3A_591, %swap3A_592, %swap3A_593] {strides = array<i32>} : memref<5x16x256xf32, #tpu.memory_space<vmem>>, vector<1x1x16xf32>,
      %swap3A_595 = vector.shape_cast %swap3A_594 : vector<1x1x16xf32> to vector<16xf32>
      %swap3A_596 = vector.shape_cast %get3A_241 : vector<16xf32> to vector<1x1x16xf32>
      tpu.vector_store %arg5[%swap3A_591, %swap3A_592, %swap3A_593], %swap3A_596 {strides = array<i32>} : memref<5x16x256xf32, #tpu.memory_space<vmem>>, vector<1x1x16xf32>,
      %swap3A_597 = arith.index_cast %scan3A_277 : i32 to index
      %swap3A_598 = arith.index_cast %scan3A_543 : i32 to index
      %swap3A_599 = arith.constant 144 : index
      %swap3A_600 = tpu.vector_load %arg5[%swap3A_597, %swap3A_598, %swap3A_599] {strides = array<i32>} : memref<5x16x256xf32, #tpu.memory_space<vmem>>, vector<1x1x16xf32>,
      %swap3A_601 = vector.shape_cast %swap3A_600 : vector<1x1x16xf32> to vector<16xf32>
      %swap3A_602 = vector.shape_cast %get3A_246 : vector<16xf32> to vector<1x1x16xf32>
      tpu.vector_store %arg5[%swap3A_597, %swap3A_598, %swap3A_599], %swap3A_602 {strides = array<i32>} : memref<5x16x256xf32, #tpu.memory_space<vmem>>, vector<1x1x16xf32>,
      %swap3A_603 = arith.index_cast %scan3A_277 : i32 to index
      %swap3A_604 = arith.index_cast %scan3A_543 : i32 to index
      %swap3A_605 = arith.constant 160 : index
      %swap3A_606 = tpu.vector_load %arg5[%swap3A_603, %swap3A_604, %swap3A_605] {strides = array<i32>} : memref<5x16x256xf32, #tpu.memory_space<vmem>>, vector<1x1x16xf32>,
      %swap3A_607 = vector.shape_cast %swap3A_606 : vector<1x1x16xf32> to vector<16xf32>
      %swap3A_608 = vector.shape_cast %get3A_251 : vector<16xf32> to vector<1x1x16xf32>
      tpu.vector_store %arg5[%swap3A_603, %swap3A_604, %swap3A_605], %swap3A_608 {strides = array<i32>} : memref<5x16x256xf32, #tpu.memory_space<vmem>>, vector<1x1x16xf32>,
      %swap3A_609 = arith.index_cast %scan3A_277 : i32 to index
      %swap3A_610 = arith.index_cast %scan3A_543 : i32 to index
      %swap3A_611 = arith.constant 176 : index
      %swap3A_612 = tpu.vector_load %arg5[%swap3A_609, %swap3A_610, %swap3A_611] {strides = array<i32>} : memref<5x16x256xf32, #tpu.memory_space<vmem>>, vector<1x1x16xf32>,
      %swap3A_613 = vector.shape_cast %swap3A_612 : vector<1x1x16xf32> to vector<16xf32>
      %swap3A_614 = vector.shape_cast %get3A_256 : vector<16xf32> to vector<1x1x16xf32>
      tpu.vector_store %arg5[%swap3A_609, %swap3A_610, %swap3A_611], %swap3A_614 {strides = array<i32>} : memref<5x16x256xf32, #tpu.memory_space<vmem>>, vector<1x1x16xf32>,
      %swap3A_615 = arith.index_cast %scan3A_277 : i32 to index
      %swap3A_616 = arith.index_cast %scan3A_543 : i32 to index
      %swap3A_617 = arith.constant 192 : index
      %swap3A_618 = tpu.vector_load %arg5[%swap3A_615, %swap3A_616, %swap3A_617] {strides = array<i32>} : memref<5x16x256xf32, #tpu.memory_space<vmem>>, vector<1x1x16xf32>,
      %swap3A_619 = vector.shape_cast %swap3A_618 : vector<1x1x16xf32> to vector<16xf32>
      %swap3A_620 = vector.shape_cast %get3A_261 : vector<16xf32> to vector<1x1x16xf32>
      tpu.vector_store %arg5[%swap3A_615, %swap3A_616, %swap3A_617], %swap3A_620 {strides = array<i32>} : memref<5x16x256xf32, #tpu.memory_space<vmem>>, vector<1x1x16xf32>,
      %swap3A_621 = arith.index_cast %scan3A_277 : i32 to index
      %swap3A_622 = arith.index_cast %scan3A_543 : i32 to index
      %swap3A_623 = arith.constant 208 : index
      %swap3A_624 = tpu.vector_load %arg5[%swap3A_621, %swap3A_622, %swap3A_623] {strides = array<i32>} : memref<5x16x256xf32, #tpu.memory_space<vmem>>, vector<1x1x16xf32>,
      %swap3A_625 = vector.shape_cast %swap3A_624 : vector<1x1x16xf32> to vector<16xf32>
      %swap3A_626 = vector.shape_cast %get3A_266 : vector<16xf32> to vector<1x1x16xf32>
      tpu.vector_store %arg5[%swap3A_621, %swap3A_622, %swap3A_623], %swap3A_626 {strides = array<i32>} : memref<5x16x256xf32, #tpu.memory_space<vmem>>, vector<1x1x16xf32>,
      %swap3A_627 = arith.index_cast %scan3A_277 : i32 to index
      %swap3A_628 = arith.index_cast %scan3A_543 : i32 to index
      %swap3A_629 = arith.constant 224 : index
      %swap3A_630 = tpu.vector_load %arg5[%swap3A_627, %swap3A_628, %swap3A_629] {strides = array<i32>} : memref<5x16x256xf32, #tpu.memory_space<vmem>>, vector<1x1x16xf32>,
      %swap3A_631 = vector.shape_cast %swap3A_630 : vector<1x1x16xf32> to vector<16xf32>
      %swap3A_632 = vector.shape_cast %get3A_271 : vector<16xf32> to vector<1x1x16xf32>
      tpu.vector_store %arg5[%swap3A_627, %swap3A_628, %swap3A_629], %swap3A_632 {strides = array<i32>} : memref<5x16x256xf32, #tpu.memory_space<vmem>>, vector<1x1x16xf32>,
      %swap3A_633 = arith.index_cast %scan3A_277 : i32 to index
      %swap3A_634 = arith.index_cast %scan3A_543 : i32 to index
      %swap3A_635 = arith.constant 240 : index
      %swap3A_636 = tpu.vector_load %arg5[%swap3A_633, %swap3A_634, %swap3A_635] {strides = array<i32>} : memref<5x16x256xf32, #tpu.memory_space<vmem>>, vector<1x1x16xf32>,
      %swap3A_637 = vector.shape_cast %swap3A_636 : vector<1x1x16xf32> to vector<16xf32>
      %swap3A_638 = vector.shape_cast %get3A_276 : vector<16xf32> to vector<1x1x16xf32>
      tpu.vector_store %arg5[%swap3A_633, %swap3A_634, %swap3A_635], %swap3A_638 {strides = array<i32>} : memref<5x16x256xf32, #tpu.memory_space<vmem>>, vector<1x1x16xf32>,
    }
    %scan3A_282 = arith.constant 16 : i32
    %add3A_283 = arith.constant 64 : i32
    %add3A_284 = arith.addi %add3A, %add3A_283 : i32
    %scan3A_285 = arith.constant 2 : i32
    %scan3A_286 = arith.constant 0 : i32
    %scan3A_287 = arith.constant 256 : i32
    %scan3A_288 = arith.addi %scan3A_286, %scan3A_287 : i32
    %scan3A_289 = arith.constant 1 : i32
    scf.for %scan3A_543 = %scan3A_286 to %scan3A_288 step %scan3A_289  : i32 {
      %mul3A_544 = arith.constant 16 : i32
      %mul3A_545 = arith.muli %scan3A_543, %mul3A_544 : i32
      %dma_start3A = arith.constant 0 : i32
      %dma_start3A_546 = arith.constant 0 : i32
      %dma_start3A_547 = tpu.memref_slice %arg5[%scan3A_285, %dma_start3A, %dma_start3A_546] : memref<5x16x256xf32, #tpu.memory_space<vmem>> -> memref<1x16x256xf32, #tpu.memory_space<vmem>>
      %dma_start3A_548 = tpu.memref_squeeze %dma_start3A_547 : memref<1x16x256xf32, #tpu.memory_space<vmem>> -> memref<16x256xf32, #tpu.memory_space<vmem>>
      %dma_start3A_549 = arith.constant 0 : i32
      %dma_start3A_550 = tpu.memref_slice %arg3[%add3A_284, %mul3A_545, %dma_start3A_549] : memref<160x4096x256xf32, #tpu.memory_space<hbm>> -> memref<1x16x256xf32, #tpu.memory_space<hbm>>
      %dma_start3A_551 = tpu.memref_squeeze %dma_start3A_550 : memref<1x16x256xf32, #tpu.memory_space<hbm>> -> memref<16x256xf32, #tpu.memory_space<hbm>>
      %dma_start3A_552 = tpu.memref_slice %arg6[%scan3A_285] : memref<5x!tpu.dma_semaphore, #tpu.memory_space<semaphore_mem>> -> memref<1x!tpu.dma_semaphore, #tpu.memory_space<semaphore_mem>>
      %dma_start3A_553 = tpu.memref_squeeze %dma_start3A_552 : memref<1x!tpu.dma_semaphore, #tpu.memory_space<semaphore_mem>> -> memref<!tpu.dma_semaphore, #tpu.memory_space<semaphore_mem>>
      %dma_start3A_554 = arith.constant 0 : i32
      %dma_start3A_555 = tpu.memref_slice %arg3[%add3A_284, %mul3A_545, %dma_start3A_554] : memref<160x4096x256xf32, #tpu.memory_space<hbm>> -> memref<1x16x256xf32, #tpu.memory_space<hbm>>
      %dma_start3A_556 = tpu.memref_squeeze %dma_start3A_555 : memref<1x16x256xf32, #tpu.memory_space<hbm>> -> memref<16x256xf32, #tpu.memory_space<hbm>>
      %dma_start3A_557 = arith.constant 0 : i32
      %dma_start3A_558 = arith.constant 0 : i32
      %dma_start3A_559 = tpu.memref_slice %arg5[%scan3A_285, %dma_start3A_557, %dma_start3A_558] : memref<5x16x256xf32, #tpu.memory_space<vmem>> -> memref<1x16x256xf32, #tpu.memory_space<vmem>>
      %dma_start3A_560 = tpu.memref_squeeze %dma_start3A_559 : memref<1x16x256xf32, #tpu.memory_space<vmem>> -> memref<16x256xf32, #tpu.memory_space<vmem>>
      tpu.enqueue_dma source(%dma_start3A_560 : memref<16x256xf32, #tpu.memory_space<vmem>>) target(%dma_start3A_556 : memref<16x256xf32, #tpu.memory_space<hbm>>) target_semaphore(%dma_start3A_553 : memref<!tpu.dma_semaphore, #tpu.memory_space<semaphore_mem>>)
    }
    %scan3A_290 = arith.constant 256 : i32
    %get3A_291 = arith.constant 3 : i32
    %get3A_292 = arith.index_cast %get3A_291 : i32 to index
    %get3A_293 = arith.constant 0 : index
    %get3A_294 = tpu.vector_load %arg4[%get3A_292, %get3A_293] {strides = array<i32>} : memref<5x256xf32, #tpu.memory_space<vmem>>, vector<1x16xf32>,
    %get3A_295 = vector.shape_cast %get3A_294 : vector<1x16xf32> to vector<16xf32>
    %get3A_296 = arith.constant 3 : i32
    %get3A_297 = arith.index_cast %get3A_296 : i32 to index
    %get3A_298 = arith.constant 16 : index
    %get3A_299 = tpu.vector_load %arg4[%get3A_297, %get3A_298] {strides = array<i32>} : memref<5x256xf32, #tpu.memory_space<vmem>>, vector<1x16xf32>,
    %get3A_300 = vector.shape_cast %get3A_299 : vector<1x16xf32> to vector<16xf32>
    %get3A_301 = arith.constant 3 : i32
    %get3A_302 = arith.index_cast %get3A_301 : i32 to index
    %get3A_303 = arith.constant 32 : index
    %get3A_304 = tpu.vector_load %arg4[%get3A_302, %get3A_303] {strides = array<i32>} : memref<5x256xf32, #tpu.memory_space<vmem>>, vector<1x16xf32>,
    %get3A_305 = vector.shape_cast %get3A_304 : vector<1x16xf32> to vector<16xf32>
    %get3A_306 = arith.constant 3 : i32
    %get3A_307 = arith.index_cast %get3A_306 : i32 to index
    %get3A_308 = arith.constant 48 : index
    %get3A_309 = tpu.vector_load %arg4[%get3A_307, %get3A_308] {strides = array<i32>} : memref<5x256xf32, #tpu.memory_space<vmem>>, vector<1x16xf32>,
    %get3A_310 = vector.shape_cast %get3A_309 : vector<1x16xf32> to vector<16xf32>
    %get3A_311 = arith.constant 3 : i32
    %get3A_312 = arith.index_cast %get3A_311 : i32 to index
    %get3A_313 = arith.constant 64 : index
    %get3A_314 = tpu.vector_load %arg4[%get3A_312, %get3A_313] {strides = array<i32>} : memref<5x256xf32, #tpu.memory_space<vmem>>, vector<1x16xf32>,
    %get3A_315 = vector.shape_cast %get3A_314 : vector<1x16xf32> to vector<16xf32>
    %get3A_316 = arith.constant 3 : i32
    %get3A_317 = arith.index_cast %get3A_316 : i32 to index
    %get3A_318 = arith.constant 80 : index
    %get3A_319 = tpu.vector_load %arg4[%get3A_317, %get3A_318] {strides = array<i32>} : memref<5x256xf32, #tpu.memory_space<vmem>>, vector<1x16xf32>,
    %get3A_320 = vector.shape_cast %get3A_319 : vector<1x16xf32> to vector<16xf32>
    %get3A_321 = arith.constant 3 : i32
    %get3A_322 = arith.index_cast %get3A_321 : i32 to index
    %get3A_323 = arith.constant 96 : index
    %get3A_324 = tpu.vector_load %arg4[%get3A_322, %get3A_323] {strides = array<i32>} : memref<5x256xf32, #tpu.memory_space<vmem>>, vector<1x16xf32>,
    %get3A_325 = vector.shape_cast %get3A_324 : vector<1x16xf32> to vector<16xf32>
    %get3A_326 = arith.constant 3 : i32
    %get3A_327 = arith.index_cast %get3A_326 : i32 to index
    %get3A_328 = arith.constant 112 : index
    %get3A_329 = tpu.vector_load %arg4[%get3A_327, %get3A_328] {strides = array<i32>} : memref<5x256xf32, #tpu.memory_space<vmem>>, vector<1x16xf32>,
    %get3A_330 = vector.shape_cast %get3A_329 : vector<1x16xf32> to vector<16xf32>
    %get3A_331 = arith.constant 3 : i32
    %get3A_332 = arith.index_cast %get3A_331 : i32 to index
    %get3A_333 = arith.constant 128 : index
    %get3A_334 = tpu.vector_load %arg4[%get3A_332, %get3A_333] {strides = array<i32>} : memref<5x256xf32, #tpu.memory_space<vmem>>, vector<1x16xf32>,
    %get3A_335 = vector.shape_cast %get3A_334 : vector<1x16xf32> to vector<16xf32>
    %get3A_336 = arith.constant 3 : i32
    %get3A_337 = arith.index_cast %get3A_336 : i32 to index
    %get3A_338 = arith.constant 144 : index
    %get3A_339 = tpu.vector_load %arg4[%get3A_337, %get3A_338] {strides = array<i32>} : memref<5x256xf32, #tpu.memory_space<vmem>>, vector<1x16xf32>,
    %get3A_340 = vector.shape_cast %get3A_339 : vector<1x16xf32> to vector<16xf32>
    %get3A_341 = arith.constant 3 : i32
    %get3A_342 = arith.index_cast %get3A_341 : i32 to index
    %get3A_343 = arith.constant 160 : index
    %get3A_344 = tpu.vector_load %arg4[%get3A_342, %get3A_343] {strides = array<i32>} : memref<5x256xf32, #tpu.memory_space<vmem>>, vector<1x16xf32>,
    %get3A_345 = vector.shape_cast %get3A_344 : vector<1x16xf32> to vector<16xf32>
    %get3A_346 = arith.constant 3 : i32
    %get3A_347 = arith.index_cast %get3A_346 : i32 to index
    %get3A_348 = arith.constant 176 : index
    %get3A_349 = tpu.vector_load %arg4[%get3A_347, %get3A_348] {strides = array<i32>} : memref<5x256xf32, #tpu.memory_space<vmem>>, vector<1x16xf32>,
    %get3A_350 = vector.shape_cast %get3A_349 : vector<1x16xf32> to vector<16xf32>
    %get3A_351 = arith.constant 3 : i32
    %get3A_352 = arith.index_cast %get3A_351 : i32 to index
    %get3A_353 = arith.constant 192 : index
    %get3A_354 = tpu.vector_load %arg4[%get3A_352, %get3A_353] {strides = array<i32>} : memref<5x256xf32, #tpu.memory_space<vmem>>, vector<1x16xf32>,
    %get3A_355 = vector.shape_cast %get3A_354 : vector<1x16xf32> to vector<16xf32>
    %get3A_356 = arith.constant 3 : i32
    %get3A_357 = arith.index_cast %get3A_356 : i32 to index
    %get3A_358 = arith.constant 208 : index
    %get3A_359 = tpu.vector_load %arg4[%get3A_357, %get3A_358] {strides = array<i32>} : memref<5x256xf32, #tpu.memory_space<vmem>>, vector<1x16xf32>,
    %get3A_360 = vector.shape_cast %get3A_359 : vector<1x16xf32> to vector<16xf32>
    %get3A_361 = arith.constant 3 : i32
    %get3A_362 = arith.index_cast %get3A_361 : i32 to index
    %get3A_363 = arith.constant 224 : index
    %get3A_364 = tpu.vector_load %arg4[%get3A_362, %get3A_363] {strides = array<i32>} : memref<5x256xf32, #tpu.memory_space<vmem>>, vector<1x16xf32>,
    %get3A_365 = vector.shape_cast %get3A_364 : vector<1x16xf32> to vector<16xf32>
    %get3A_366 = arith.constant 3 : i32
    %get3A_367 = arith.index_cast %get3A_366 : i32 to index
    %get3A_368 = arith.constant 240 : index
    %get3A_369 = tpu.vector_load %arg4[%get3A_367, %get3A_368] {strides = array<i32>} : memref<5x256xf32, #tpu.memory_space<vmem>>, vector<1x16xf32>,
    %get3A_370 = vector.shape_cast %get3A_369 : vector<1x16xf32> to vector<16xf32>
    %scan3A_371 = arith.constant 3 : i32
    %scan3A_372 = arith.constant 0 : i32
    %scan3A_373 = arith.constant 16 : i32
    %scan3A_374 = arith.addi %scan3A_372, %scan3A_373 : i32
    %scan3A_375 = arith.constant 1 : i32
    scf.for %scan3A_543 = %scan3A_372 to %scan3A_374 step %scan3A_375  : i32 {
      %swap3A = arith.index_cast %scan3A_371 : i32 to index
      %swap3A_544 = arith.index_cast %scan3A_543 : i32 to index
      %swap3A_545 = arith.constant 0 : index
      %swap3A_546 = tpu.vector_load %arg5[%swap3A, %swap3A_544, %swap3A_545] {strides = array<i32>} : memref<5x16x256xf32, #tpu.memory_space<vmem>>, vector<1x1x16xf32>,
      %swap3A_547 = vector.shape_cast %swap3A_546 : vector<1x1x16xf32> to vector<16xf32>
      %swap3A_548 = vector.shape_cast %get3A_295 : vector<16xf32> to vector<1x1x16xf32>
      tpu.vector_store %arg5[%swap3A, %swap3A_544, %swap3A_545], %swap3A_548 {strides = array<i32>} : memref<5x16x256xf32, #tpu.memory_space<vmem>>, vector<1x1x16xf32>,
      %swap3A_549 = arith.index_cast %scan3A_371 : i32 to index
      %swap3A_550 = arith.index_cast %scan3A_543 : i32 to index
      %swap3A_551 = arith.constant 16 : index
      %swap3A_552 = tpu.vector_load %arg5[%swap3A_549, %swap3A_550, %swap3A_551] {strides = array<i32>} : memref<5x16x256xf32, #tpu.memory_space<vmem>>, vector<1x1x16xf32>,
      %swap3A_553 = vector.shape_cast %swap3A_552 : vector<1x1x16xf32> to vector<16xf32>
      %swap3A_554 = vector.shape_cast %get3A_300 : vector<16xf32> to vector<1x1x16xf32>
      tpu.vector_store %arg5[%swap3A_549, %swap3A_550, %swap3A_551], %swap3A_554 {strides = array<i32>} : memref<5x16x256xf32, #tpu.memory_space<vmem>>, vector<1x1x16xf32>,
      %swap3A_555 = arith.index_cast %scan3A_371 : i32 to index
      %swap3A_556 = arith.index_cast %scan3A_543 : i32 to index
      %swap3A_557 = arith.constant 32 : index
      %swap3A_558 = tpu.vector_load %arg5[%swap3A_555, %swap3A_556, %swap3A_557] {strides = array<i32>} : memref<5x16x256xf32, #tpu.memory_space<vmem>>, vector<1x1x16xf32>,
      %swap3A_559 = vector.shape_cast %swap3A_558 : vector<1x1x16xf32> to vector<16xf32>
      %swap3A_560 = vector.shape_cast %get3A_305 : vector<16xf32> to vector<1x1x16xf32>
      tpu.vector_store %arg5[%swap3A_555, %swap3A_556, %swap3A_557], %swap3A_560 {strides = array<i32>} : memref<5x16x256xf32, #tpu.memory_space<vmem>>, vector<1x1x16xf32>,
      %swap3A_561 = arith.index_cast %scan3A_371 : i32 to index
      %swap3A_562 = arith.index_cast %scan3A_543 : i32 to index
      %swap3A_563 = arith.constant 48 : index
      %swap3A_564 = tpu.vector_load %arg5[%swap3A_561, %swap3A_562, %swap3A_563] {strides = array<i32>} : memref<5x16x256xf32, #tpu.memory_space<vmem>>, vector<1x1x16xf32>,
      %swap3A_565 = vector.shape_cast %swap3A_564 : vector<1x1x16xf32> to vector<16xf32>
      %swap3A_566 = vector.shape_cast %get3A_310 : vector<16xf32> to vector<1x1x16xf32>
      tpu.vector_store %arg5[%swap3A_561, %swap3A_562, %swap3A_563], %swap3A_566 {strides = array<i32>} : memref<5x16x256xf32, #tpu.memory_space<vmem>>, vector<1x1x16xf32>,
      %swap3A_567 = arith.index_cast %scan3A_371 : i32 to index
      %swap3A_568 = arith.index_cast %scan3A_543 : i32 to index
      %swap3A_569 = arith.constant 64 : index
      %swap3A_570 = tpu.vector_load %arg5[%swap3A_567, %swap3A_568, %swap3A_569] {strides = array<i32>} : memref<5x16x256xf32, #tpu.memory_space<vmem>>, vector<1x1x16xf32>,
      %swap3A_571 = vector.shape_cast %swap3A_570 : vector<1x1x16xf32> to vector<16xf32>
      %swap3A_572 = vector.shape_cast %get3A_315 : vector<16xf32> to vector<1x1x16xf32>
      tpu.vector_store %arg5[%swap3A_567, %swap3A_568, %swap3A_569], %swap3A_572 {strides = array<i32>} : memref<5x16x256xf32, #tpu.memory_space<vmem>>, vector<1x1x16xf32>,
      %swap3A_573 = arith.index_cast %scan3A_371 : i32 to index
      %swap3A_574 = arith.index_cast %scan3A_543 : i32 to index
      %swap3A_575 = arith.constant 80 : index
      %swap3A_576 = tpu.vector_load %arg5[%swap3A_573, %swap3A_574, %swap3A_575] {strides = array<i32>} : memref<5x16x256xf32, #tpu.memory_space<vmem>>, vector<1x1x16xf32>,
      %swap3A_577 = vector.shape_cast %swap3A_576 : vector<1x1x16xf32> to vector<16xf32>
      %swap3A_578 = vector.shape_cast %get3A_320 : vector<16xf32> to vector<1x1x16xf32>
      tpu.vector_store %arg5[%swap3A_573, %swap3A_574, %swap3A_575], %swap3A_578 {strides = array<i32>} : memref<5x16x256xf32, #tpu.memory_space<vmem>>, vector<1x1x16xf32>,
      %swap3A_579 = arith.index_cast %scan3A_371 : i32 to index
      %swap3A_580 = arith.index_cast %scan3A_543 : i32 to index
      %swap3A_581 = arith.constant 96 : index
      %swap3A_582 = tpu.vector_load %arg5[%swap3A_579, %swap3A_580, %swap3A_581] {strides = array<i32>} : memref<5x16x256xf32, #tpu.memory_space<vmem>>, vector<1x1x16xf32>,
      %swap3A_583 = vector.shape_cast %swap3A_582 : vector<1x1x16xf32> to vector<16xf32>
      %swap3A_584 = vector.shape_cast %get3A_325 : vector<16xf32> to vector<1x1x16xf32>
      tpu.vector_store %arg5[%swap3A_579, %swap3A_580, %swap3A_581], %swap3A_584 {strides = array<i32>} : memref<5x16x256xf32, #tpu.memory_space<vmem>>, vector<1x1x16xf32>,
      %swap3A_585 = arith.index_cast %scan3A_371 : i32 to index
      %swap3A_586 = arith.index_cast %scan3A_543 : i32 to index
      %swap3A_587 = arith.constant 112 : index
      %swap3A_588 = tpu.vector_load %arg5[%swap3A_585, %swap3A_586, %swap3A_587] {strides = array<i32>} : memref<5x16x256xf32, #tpu.memory_space<vmem>>, vector<1x1x16xf32>,
      %swap3A_589 = vector.shape_cast %swap3A_588 : vector<1x1x16xf32> to vector<16xf32>
      %swap3A_590 = vector.shape_cast %get3A_330 : vector<16xf32> to vector<1x1x16xf32>
      tpu.vector_store %arg5[%swap3A_585, %swap3A_586, %swap3A_587], %swap3A_590 {strides = array<i32>} : memref<5x16x256xf32, #tpu.memory_space<vmem>>, vector<1x1x16xf32>,
      %swap3A_591 = arith.index_cast %scan3A_371 : i32 to index
      %swap3A_592 = arith.index_cast %scan3A_543 : i32 to index
      %swap3A_593 = arith.constant 128 : index
      %swap3A_594 = tpu.vector_load %arg5[%swap3A_591, %swap3A_592, %swap3A_593] {strides = array<i32>} : memref<5x16x256xf32, #tpu.memory_space<vmem>>, vector<1x1x16xf32>,
      %swap3A_595 = vector.shape_cast %swap3A_594 : vector<1x1x16xf32> to vector<16xf32>
      %swap3A_596 = vector.shape_cast %get3A_335 : vector<16xf32> to vector<1x1x16xf32>
      tpu.vector_store %arg5[%swap3A_591, %swap3A_592, %swap3A_593], %swap3A_596 {strides = array<i32>} : memref<5x16x256xf32, #tpu.memory_space<vmem>>, vector<1x1x16xf32>,
      %swap3A_597 = arith.index_cast %scan3A_371 : i32 to index
      %swap3A_598 = arith.index_cast %scan3A_543 : i32 to index
      %swap3A_599 = arith.constant 144 : index
      %swap3A_600 = tpu.vector_load %arg5[%swap3A_597, %swap3A_598, %swap3A_599] {strides = array<i32>} : memref<5x16x256xf32, #tpu.memory_space<vmem>>, vector<1x1x16xf32>,
      %swap3A_601 = vector.shape_cast %swap3A_600 : vector<1x1x16xf32> to vector<16xf32>
      %swap3A_602 = vector.shape_cast %get3A_340 : vector<16xf32> to vector<1x1x16xf32>
      tpu.vector_store %arg5[%swap3A_597, %swap3A_598, %swap3A_599], %swap3A_602 {strides = array<i32>} : memref<5x16x256xf32, #tpu.memory_space<vmem>>, vector<1x1x16xf32>,
      %swap3A_603 = arith.index_cast %scan3A_371 : i32 to index
      %swap3A_604 = arith.index_cast %scan3A_543 : i32 to index
      %swap3A_605 = arith.constant 160 : index
      %swap3A_606 = tpu.vector_load %arg5[%swap3A_603, %swap3A_604, %swap3A_605] {strides = array<i32>} : memref<5x16x256xf32, #tpu.memory_space<vmem>>, vector<1x1x16xf32>,
      %swap3A_607 = vector.shape_cast %swap3A_606 : vector<1x1x16xf32> to vector<16xf32>
      %swap3A_608 = vector.shape_cast %get3A_345 : vector<16xf32> to vector<1x1x16xf32>
      tpu.vector_store %arg5[%swap3A_603, %swap3A_604, %swap3A_605], %swap3A_608 {strides = array<i32>} : memref<5x16x256xf32, #tpu.memory_space<vmem>>, vector<1x1x16xf32>,
      %swap3A_609 = arith.index_cast %scan3A_371 : i32 to index
      %swap3A_610 = arith.index_cast %scan3A_543 : i32 to index
      %swap3A_611 = arith.constant 176 : index
      %swap3A_612 = tpu.vector_load %arg5[%swap3A_609, %swap3A_610, %swap3A_611] {strides = array<i32>} : memref<5x16x256xf32, #tpu.memory_space<vmem>>, vector<1x1x16xf32>,
      %swap3A_613 = vector.shape_cast %swap3A_612 : vector<1x1x16xf32> to vector<16xf32>
      %swap3A_614 = vector.shape_cast %get3A_350 : vector<16xf32> to vector<1x1x16xf32>
      tpu.vector_store %arg5[%swap3A_609, %swap3A_610, %swap3A_611], %swap3A_614 {strides = array<i32>} : memref<5x16x256xf32, #tpu.memory_space<vmem>>, vector<1x1x16xf32>,
      %swap3A_615 = arith.index_cast %scan3A_371 : i32 to index
      %swap3A_616 = arith.index_cast %scan3A_543 : i32 to index
      %swap3A_617 = arith.constant 192 : index
      %swap3A_618 = tpu.vector_load %arg5[%swap3A_615, %swap3A_616, %swap3A_617] {strides = array<i32>} : memref<5x16x256xf32, #tpu.memory_space<vmem>>, vector<1x1x16xf32>,
      %swap3A_619 = vector.shape_cast %swap3A_618 : vector<1x1x16xf32> to vector<16xf32>
      %swap3A_620 = vector.shape_cast %get3A_355 : vector<16xf32> to vector<1x1x16xf32>
      tpu.vector_store %arg5[%swap3A_615, %swap3A_616, %swap3A_617], %swap3A_620 {strides = array<i32>} : memref<5x16x256xf32, #tpu.memory_space<vmem>>, vector<1x1x16xf32>,
      %swap3A_621 = arith.index_cast %scan3A_371 : i32 to index
      %swap3A_622 = arith.index_cast %scan3A_543 : i32 to index
      %swap3A_623 = arith.constant 208 : index
      %swap3A_624 = tpu.vector_load %arg5[%swap3A_621, %swap3A_622, %swap3A_623] {strides = array<i32>} : memref<5x16x256xf32, #tpu.memory_space<vmem>>, vector<1x1x16xf32>,
      %swap3A_625 = vector.shape_cast %swap3A_624 : vector<1x1x16xf32> to vector<16xf32>
      %swap3A_626 = vector.shape_cast %get3A_360 : vector<16xf32> to vector<1x1x16xf32>
      tpu.vector_store %arg5[%swap3A_621, %swap3A_622, %swap3A_623], %swap3A_626 {strides = array<i32>} : memref<5x16x256xf32, #tpu.memory_space<vmem>>, vector<1x1x16xf32>,
      %swap3A_627 = arith.index_cast %scan3A_371 : i32 to index
      %swap3A_628 = arith.index_cast %scan3A_543 : i32 to index
      %swap3A_629 = arith.constant 224 : index
      %swap3A_630 = tpu.vector_load %arg5[%swap3A_627, %swap3A_628, %swap3A_629] {strides = array<i32>} : memref<5x16x256xf32, #tpu.memory_space<vmem>>, vector<1x1x16xf32>,
      %swap3A_631 = vector.shape_cast %swap3A_630 : vector<1x1x16xf32> to vector<16xf32>
      %swap3A_632 = vector.shape_cast %get3A_365 : vector<16xf32> to vector<1x1x16xf32>
      tpu.vector_store %arg5[%swap3A_627, %swap3A_628, %swap3A_629], %swap3A_632 {strides = array<i32>} : memref<5x16x256xf32, #tpu.memory_space<vmem>>, vector<1x1x16xf32>,
      %swap3A_633 = arith.index_cast %scan3A_371 : i32 to index
      %swap3A_634 = arith.index_cast %scan3A_543 : i32 to index
      %swap3A_635 = arith.constant 240 : index
      %swap3A_636 = tpu.vector_load %arg5[%swap3A_633, %swap3A_634, %swap3A_635] {strides = array<i32>} : memref<5x16x256xf32, #tpu.memory_space<vmem>>, vector<1x1x16xf32>,
      %swap3A_637 = vector.shape_cast %swap3A_636 : vector<1x1x16xf32> to vector<16xf32>
      %swap3A_638 = vector.shape_cast %get3A_370 : vector<16xf32> to vector<1x1x16xf32>
      tpu.vector_store %arg5[%swap3A_633, %swap3A_634, %swap3A_635], %swap3A_638 {strides = array<i32>} : memref<5x16x256xf32, #tpu.memory_space<vmem>>, vector<1x1x16xf32>,
    }
    %scan3A_376 = arith.constant 16 : i32
    %add3A_377 = arith.constant 96 : i32
    %add3A_378 = arith.addi %add3A, %add3A_377 : i32
    %scan3A_379 = arith.constant 3 : i32
    %scan3A_380 = arith.constant 0 : i32
    %scan3A_381 = arith.constant 256 : i32
    %scan3A_382 = arith.addi %scan3A_380, %scan3A_381 : i32
    %scan3A_383 = arith.constant 1 : i32
    scf.for %scan3A_543 = %scan3A_380 to %scan3A_382 step %scan3A_383  : i32 {
      %mul3A_544 = arith.constant 16 : i32
      %mul3A_545 = arith.muli %scan3A_543, %mul3A_544 : i32
      %dma_start3A = arith.constant 0 : i32
      %dma_start3A_546 = arith.constant 0 : i32
      %dma_start3A_547 = tpu.memref_slice %arg5[%scan3A_379, %dma_start3A, %dma_start3A_546] : memref<5x16x256xf32, #tpu.memory_space<vmem>> -> memref<1x16x256xf32, #tpu.memory_space<vmem>>
      %dma_start3A_548 = tpu.memref_squeeze %dma_start3A_547 : memref<1x16x256xf32, #tpu.memory_space<vmem>> -> memref<16x256xf32, #tpu.memory_space<vmem>>
      %dma_start3A_549 = arith.constant 0 : i32
      %dma_start3A_550 = tpu.memref_slice %arg3[%add3A_378, %mul3A_545, %dma_start3A_549] : memref<160x4096x256xf32, #tpu.memory_space<hbm>> -> memref<1x16x256xf32, #tpu.memory_space<hbm>>
      %dma_start3A_551 = tpu.memref_squeeze %dma_start3A_550 : memref<1x16x256xf32, #tpu.memory_space<hbm>> -> memref<16x256xf32, #tpu.memory_space<hbm>>
      %dma_start3A_552 = tpu.memref_slice %arg6[%scan3A_379] : memref<5x!tpu.dma_semaphore, #tpu.memory_space<semaphore_mem>> -> memref<1x!tpu.dma_semaphore, #tpu.memory_space<semaphore_mem>>
      %dma_start3A_553 = tpu.memref_squeeze %dma_start3A_552 : memref<1x!tpu.dma_semaphore, #tpu.memory_space<semaphore_mem>> -> memref<!tpu.dma_semaphore, #tpu.memory_space<semaphore_mem>>
      %dma_start3A_554 = arith.constant 0 : i32
      %dma_start3A_555 = tpu.memref_slice %arg3[%add3A_378, %mul3A_545, %dma_start3A_554] : memref<160x4096x256xf32, #tpu.memory_space<hbm>> -> memref<1x16x256xf32, #tpu.memory_space<hbm>>
      %dma_start3A_556 = tpu.memref_squeeze %dma_start3A_555 : memref<1x16x256xf32, #tpu.memory_space<hbm>> -> memref<16x256xf32, #tpu.memory_space<hbm>>
      %dma_start3A_557 = arith.constant 0 : i32
      %dma_start3A_558 = arith.constant 0 : i32
      %dma_start3A_559 = tpu.memref_slice %arg5[%scan3A_379, %dma_start3A_557, %dma_start3A_558] : memref<5x16x256xf32, #tpu.memory_space<vmem>> -> memref<1x16x256xf32, #tpu.memory_space<vmem>>
      %dma_start3A_560 = tpu.memref_squeeze %dma_start3A_559 : memref<1x16x256xf32, #tpu.memory_space<vmem>> -> memref<16x256xf32, #tpu.memory_space<vmem>>
      tpu.enqueue_dma source(%dma_start3A_560 : memref<16x256xf32, #tpu.memory_space<vmem>>) target(%dma_start3A_556 : memref<16x256xf32, #tpu.memory_space<hbm>>) target_semaphore(%dma_start3A_553 : memref<!tpu.dma_semaphore, #tpu.memory_space<semaphore_mem>>)
    }
    %scan3A_384 = arith.constant 256 : i32
    %get3A_385 = arith.constant 4 : i32
    %get3A_386 = arith.index_cast %get3A_385 : i32 to index
    %get3A_387 = arith.constant 0 : index
    %get3A_388 = tpu.vector_load %arg4[%get3A_386, %get3A_387] {strides = array<i32>} : memref<5x256xf32, #tpu.memory_space<vmem>>, vector<1x16xf32>,
    %get3A_389 = vector.shape_cast %get3A_388 : vector<1x16xf32> to vector<16xf32>
    %get3A_390 = arith.constant 4 : i32
    %get3A_391 = arith.index_cast %get3A_390 : i32 to index
    %get3A_392 = arith.constant 16 : index
    %get3A_393 = tpu.vector_load %arg4[%get3A_391, %get3A_392] {strides = array<i32>} : memref<5x256xf32, #tpu.memory_space<vmem>>, vector<1x16xf32>,
    %get3A_394 = vector.shape_cast %get3A_393 : vector<1x16xf32> to vector<16xf32>
    %get3A_395 = arith.constant 4 : i32
    %get3A_396 = arith.index_cast %get3A_395 : i32 to index
    %get3A_397 = arith.constant 32 : index
    %get3A_398 = tpu.vector_load %arg4[%get3A_396, %get3A_397] {strides = array<i32>} : memref<5x256xf32, #tpu.memory_space<vmem>>, vector<1x16xf32>,
    %get3A_399 = vector.shape_cast %get3A_398 : vector<1x16xf32> to vector<16xf32>
    %get3A_400 = arith.constant 4 : i32
    %get3A_401 = arith.index_cast %get3A_400 : i32 to index
    %get3A_402 = arith.constant 48 : index
    %get3A_403 = tpu.vector_load %arg4[%get3A_401, %get3A_402] {strides = array<i32>} : memref<5x256xf32, #tpu.memory_space<vmem>>, vector<1x16xf32>,
    %get3A_404 = vector.shape_cast %get3A_403 : vector<1x16xf32> to vector<16xf32>
    %get3A_405 = arith.constant 4 : i32
    %get3A_406 = arith.index_cast %get3A_405 : i32 to index
    %get3A_407 = arith.constant 64 : index
    %get3A_408 = tpu.vector_load %arg4[%get3A_406, %get3A_407] {strides = array<i32>} : memref<5x256xf32, #tpu.memory_space<vmem>>, vector<1x16xf32>,
    %get3A_409 = vector.shape_cast %get3A_408 : vector<1x16xf32> to vector<16xf32>
    %get3A_410 = arith.constant 4 : i32
    %get3A_411 = arith.index_cast %get3A_410 : i32 to index
    %get3A_412 = arith.constant 80 : index
    %get3A_413 = tpu.vector_load %arg4[%get3A_411, %get3A_412] {strides = array<i32>} : memref<5x256xf32, #tpu.memory_space<vmem>>, vector<1x16xf32>,
    %get3A_414 = vector.shape_cast %get3A_413 : vector<1x16xf32> to vector<16xf32>
    %get3A_415 = arith.constant 4 : i32
    %get3A_416 = arith.index_cast %get3A_415 : i32 to index
    %get3A_417 = arith.constant 96 : index
    %get3A_418 = tpu.vector_load %arg4[%get3A_416, %get3A_417] {strides = array<i32>} : memref<5x256xf32, #tpu.memory_space<vmem>>, vector<1x16xf32>,
    %get3A_419 = vector.shape_cast %get3A_418 : vector<1x16xf32> to vector<16xf32>
    %get3A_420 = arith.constant 4 : i32
    %get3A_421 = arith.index_cast %get3A_420 : i32 to index
    %get3A_422 = arith.constant 112 : index
    %get3A_423 = tpu.vector_load %arg4[%get3A_421, %get3A_422] {strides = array<i32>} : memref<5x256xf32, #tpu.memory_space<vmem>>, vector<1x16xf32>,
    %get3A_424 = vector.shape_cast %get3A_423 : vector<1x16xf32> to vector<16xf32>
    %get3A_425 = arith.constant 4 : i32
    %get3A_426 = arith.index_cast %get3A_425 : i32 to index
    %get3A_427 = arith.constant 128 : index
    %get3A_428 = tpu.vector_load %arg4[%get3A_426, %get3A_427] {strides = array<i32>} : memref<5x256xf32, #tpu.memory_space<vmem>>, vector<1x16xf32>,
    %get3A_429 = vector.shape_cast %get3A_428 : vector<1x16xf32> to vector<16xf32>
    %get3A_430 = arith.constant 4 : i32
    %get3A_431 = arith.index_cast %get3A_430 : i32 to index
    %get3A_432 = arith.constant 144 : index
    %get3A_433 = tpu.vector_load %arg4[%get3A_431, %get3A_432] {strides = array<i32>} : memref<5x256xf32, #tpu.memory_space<vmem>>, vector<1x16xf32>,
    %get3A_434 = vector.shape_cast %get3A_433 : vector<1x16xf32> to vector<16xf32>
    %get3A_435 = arith.constant 4 : i32
    %get3A_436 = arith.index_cast %get3A_435 : i32 to index
    %get3A_437 = arith.constant 160 : index
    %get3A_438 = tpu.vector_load %arg4[%get3A_436, %get3A_437] {strides = array<i32>} : memref<5x256xf32, #tpu.memory_space<vmem>>, vector<1x16xf32>,
    %get3A_439 = vector.shape_cast %get3A_438 : vector<1x16xf32> to vector<16xf32>
    %get3A_440 = arith.constant 4 : i32
    %get3A_441 = arith.index_cast %get3A_440 : i32 to index
    %get3A_442 = arith.constant 176 : index
    %get3A_443 = tpu.vector_load %arg4[%get3A_441, %get3A_442] {strides = array<i32>} : memref<5x256xf32, #tpu.memory_space<vmem>>, vector<1x16xf32>,
    %get3A_444 = vector.shape_cast %get3A_443 : vector<1x16xf32> to vector<16xf32>
    %get3A_445 = arith.constant 4 : i32
    %get3A_446 = arith.index_cast %get3A_445 : i32 to index
    %get3A_447 = arith.constant 192 : index
    %get3A_448 = tpu.vector_load %arg4[%get3A_446, %get3A_447] {strides = array<i32>} : memref<5x256xf32, #tpu.memory_space<vmem>>, vector<1x16xf32>,
    %get3A_449 = vector.shape_cast %get3A_448 : vector<1x16xf32> to vector<16xf32>
    %get3A_450 = arith.constant 4 : i32
    %get3A_451 = arith.index_cast %get3A_450 : i32 to index
    %get3A_452 = arith.constant 208 : index
    %get3A_453 = tpu.vector_load %arg4[%get3A_451, %get3A_452] {strides = array<i32>} : memref<5x256xf32, #tpu.memory_space<vmem>>, vector<1x16xf32>,
    %get3A_454 = vector.shape_cast %get3A_453 : vector<1x16xf32> to vector<16xf32>
    %get3A_455 = arith.constant 4 : i32
    %get3A_456 = arith.index_cast %get3A_455 : i32 to index
    %get3A_457 = arith.constant 224 : index
    %get3A_458 = tpu.vector_load %arg4[%get3A_456, %get3A_457] {strides = array<i32>} : memref<5x256xf32, #tpu.memory_space<vmem>>, vector<1x16xf32>,
    %get3A_459 = vector.shape_cast %get3A_458 : vector<1x16xf32> to vector<16xf32>
    %get3A_460 = arith.constant 4 : i32
    %get3A_461 = arith.index_cast %get3A_460 : i32 to index
    %get3A_462 = arith.constant 240 : index
    %get3A_463 = tpu.vector_load %arg4[%get3A_461, %get3A_462] {strides = array<i32>} : memref<5x256xf32, #tpu.memory_space<vmem>>, vector<1x16xf32>,
    %get3A_464 = vector.shape_cast %get3A_463 : vector<1x16xf32> to vector<16xf32>
    %scan3A_465 = arith.constant 4 : i32
    %scan3A_466 = arith.constant 0 : i32
    %scan3A_467 = arith.constant 16 : i32
    %scan3A_468 = arith.addi %scan3A_466, %scan3A_467 : i32
    %scan3A_469 = arith.constant 1 : i32
    scf.for %scan3A_543 = %scan3A_466 to %scan3A_468 step %scan3A_469  : i32 {
      %swap3A = arith.index_cast %scan3A_465 : i32 to index
      %swap3A_544 = arith.index_cast %scan3A_543 : i32 to index
      %swap3A_545 = arith.constant 0 : index
      %swap3A_546 = tpu.vector_load %arg5[%swap3A, %swap3A_544, %swap3A_545] {strides = array<i32>} : memref<5x16x256xf32, #tpu.memory_space<vmem>>, vector<1x1x16xf32>,
      %swap3A_547 = vector.shape_cast %swap3A_546 : vector<1x1x16xf32> to vector<16xf32>
      %swap3A_548 = vector.shape_cast %get3A_389 : vector<16xf32> to vector<1x1x16xf32>
      tpu.vector_store %arg5[%swap3A, %swap3A_544, %swap3A_545], %swap3A_548 {strides = array<i32>} : memref<5x16x256xf32, #tpu.memory_space<vmem>>, vector<1x1x16xf32>,
      %swap3A_549 = arith.index_cast %scan3A_465 : i32 to index
      %swap3A_550 = arith.index_cast %scan3A_543 : i32 to index
      %swap3A_551 = arith.constant 16 : index
      %swap3A_552 = tpu.vector_load %arg5[%swap3A_549, %swap3A_550, %swap3A_551] {strides = array<i32>} : memref<5x16x256xf32, #tpu.memory_space<vmem>>, vector<1x1x16xf32>,
      %swap3A_553 = vector.shape_cast %swap3A_552 : vector<1x1x16xf32> to vector<16xf32>
      %swap3A_554 = vector.shape_cast %get3A_394 : vector<16xf32> to vector<1x1x16xf32>
      tpu.vector_store %arg5[%swap3A_549, %swap3A_550, %swap3A_551], %swap3A_554 {strides = array<i32>} : memref<5x16x256xf32, #tpu.memory_space<vmem>>, vector<1x1x16xf32>,
      %swap3A_555 = arith.index_cast %scan3A_465 : i32 to index
      %swap3A_556 = arith.index_cast %scan3A_543 : i32 to index
      %swap3A_557 = arith.constant 32 : index
      %swap3A_558 = tpu.vector_load %arg5[%swap3A_555, %swap3A_556, %swap3A_557] {strides = array<i32>} : memref<5x16x256xf32, #tpu.memory_space<vmem>>, vector<1x1x16xf32>,
      %swap3A_559 = vector.shape_cast %swap3A_558 : vector<1x1x16xf32> to vector<16xf32>
      %swap3A_560 = vector.shape_cast %get3A_399 : vector<16xf32> to vector<1x1x16xf32>
      tpu.vector_store %arg5[%swap3A_555, %swap3A_556, %swap3A_557], %swap3A_560 {strides = array<i32>} : memref<5x16x256xf32, #tpu.memory_space<vmem>>, vector<1x1x16xf32>,
      %swap3A_561 = arith.index_cast %scan3A_465 : i32 to index
      %swap3A_562 = arith.index_cast %scan3A_543 : i32 to index
      %swap3A_563 = arith.constant 48 : index
      %swap3A_564 = tpu.vector_load %arg5[%swap3A_561, %swap3A_562, %swap3A_563] {strides = array<i32>} : memref<5x16x256xf32, #tpu.memory_space<vmem>>, vector<1x1x16xf32>,
      %swap3A_565 = vector.shape_cast %swap3A_564 : vector<1x1x16xf32> to vector<16xf32>
      %swap3A_566 = vector.shape_cast %get3A_404 : vector<16xf32> to vector<1x1x16xf32>
      tpu.vector_store %arg5[%swap3A_561, %swap3A_562, %swap3A_563], %swap3A_566 {strides = array<i32>} : memref<5x16x256xf32, #tpu.memory_space<vmem>>, vector<1x1x16xf32>,
      %swap3A_567 = arith.index_cast %scan3A_465 : i32 to index
      %swap3A_568 = arith.index_cast %scan3A_543 : i32 to index
      %swap3A_569 = arith.constant 64 : index
      %swap3A_570 = tpu.vector_load %arg5[%swap3A_567, %swap3A_568, %swap3A_569] {strides = array<i32>} : memref<5x16x256xf32, #tpu.memory_space<vmem>>, vector<1x1x16xf32>,
      %swap3A_571 = vector.shape_cast %swap3A_570 : vector<1x1x16xf32> to vector<16xf32>
      %swap3A_572 = vector.shape_cast %get3A_409 : vector<16xf32> to vector<1x1x16xf32>
      tpu.vector_store %arg5[%swap3A_567, %swap3A_568, %swap3A_569], %swap3A_572 {strides = array<i32>} : memref<5x16x256xf32, #tpu.memory_space<vmem>>, vector<1x1x16xf32>,
      %swap3A_573 = arith.index_cast %scan3A_465 : i32 to index
      %swap3A_574 = arith.index_cast %scan3A_543 : i32 to index
      %swap3A_575 = arith.constant 80 : index
      %swap3A_576 = tpu.vector_load %arg5[%swap3A_573, %swap3A_574, %swap3A_575] {strides = array<i32>} : memref<5x16x256xf32, #tpu.memory_space<vmem>>, vector<1x1x16xf32>,
      %swap3A_577 = vector.shape_cast %swap3A_576 : vector<1x1x16xf32> to vector<16xf32>
      %swap3A_578 = vector.shape_cast %get3A_414 : vector<16xf32> to vector<1x1x16xf32>
      tpu.vector_store %arg5[%swap3A_573, %swap3A_574, %swap3A_575], %swap3A_578 {strides = array<i32>} : memref<5x16x256xf32, #tpu.memory_space<vmem>>, vector<1x1x16xf32>,
      %swap3A_579 = arith.index_cast %scan3A_465 : i32 to index
      %swap3A_580 = arith.index_cast %scan3A_543 : i32 to index
      %swap3A_581 = arith.constant 96 : index
      %swap3A_582 = tpu.vector_load %arg5[%swap3A_579, %swap3A_580, %swap3A_581] {strides = array<i32>} : memref<5x16x256xf32, #tpu.memory_space<vmem>>, vector<1x1x16xf32>,
      %swap3A_583 = vector.shape_cast %swap3A_582 : vector<1x1x16xf32> to vector<16xf32>
      %swap3A_584 = vector.shape_cast %get3A_419 : vector<16xf32> to vector<1x1x16xf32>
      tpu.vector_store %arg5[%swap3A_579, %swap3A_580, %swap3A_581], %swap3A_584 {strides = array<i32>} : memref<5x16x256xf32, #tpu.memory_space<vmem>>, vector<1x1x16xf32>,
      %swap3A_585 = arith.index_cast %scan3A_465 : i32 to index
      %swap3A_586 = arith.index_cast %scan3A_543 : i32 to index
      %swap3A_587 = arith.constant 112 : index
      %swap3A_588 = tpu.vector_load %arg5[%swap3A_585, %swap3A_586, %swap3A_587] {strides = array<i32>} : memref<5x16x256xf32, #tpu.memory_space<vmem>>, vector<1x1x16xf32>,
      %swap3A_589 = vector.shape_cast %swap3A_588 : vector<1x1x16xf32> to vector<16xf32>
      %swap3A_590 = vector.shape_cast %get3A_424 : vector<16xf32> to vector<1x1x16xf32>
      tpu.vector_store %arg5[%swap3A_585, %swap3A_586, %swap3A_587], %swap3A_590 {strides = array<i32>} : memref<5x16x256xf32, #tpu.memory_space<vmem>>, vector<1x1x16xf32>,
      %swap3A_591 = arith.index_cast %scan3A_465 : i32 to index
      %swap3A_592 = arith.index_cast %scan3A_543 : i32 to index
      %swap3A_593 = arith.constant 128 : index
      %swap3A_594 = tpu.vector_load %arg5[%swap3A_591, %swap3A_592, %swap3A_593] {strides = array<i32>} : memref<5x16x256xf32, #tpu.memory_space<vmem>>, vector<1x1x16xf32>,
      %swap3A_595 = vector.shape_cast %swap3A_594 : vector<1x1x16xf32> to vector<16xf32>
      %swap3A_596 = vector.shape_cast %get3A_429 : vector<16xf32> to vector<1x1x16xf32>
      tpu.vector_store %arg5[%swap3A_591, %swap3A_592, %swap3A_593], %swap3A_596 {strides = array<i32>} : memref<5x16x256xf32, #tpu.memory_space<vmem>>, vector<1x1x16xf32>,
      %swap3A_597 = arith.index_cast %scan3A_465 : i32 to index
      %swap3A_598 = arith.index_cast %scan3A_543 : i32 to index
      %swap3A_599 = arith.constant 144 : index
      %swap3A_600 = tpu.vector_load %arg5[%swap3A_597, %swap3A_598, %swap3A_599] {strides = array<i32>} : memref<5x16x256xf32, #tpu.memory_space<vmem>>, vector<1x1x16xf32>,
      %swap3A_601 = vector.shape_cast %swap3A_600 : vector<1x1x16xf32> to vector<16xf32>
      %swap3A_602 = vector.shape_cast %get3A_434 : vector<16xf32> to vector<1x1x16xf32>
      tpu.vector_store %arg5[%swap3A_597, %swap3A_598, %swap3A_599], %swap3A_602 {strides = array<i32>} : memref<5x16x256xf32, #tpu.memory_space<vmem>>, vector<1x1x16xf32>,
      %swap3A_603 = arith.index_cast %scan3A_465 : i32 to index
      %swap3A_604 = arith.index_cast %scan3A_543 : i32 to index
      %swap3A_605 = arith.constant 160 : index
      %swap3A_606 = tpu.vector_load %arg5[%swap3A_603, %swap3A_604, %swap3A_605] {strides = array<i32>} : memref<5x16x256xf32, #tpu.memory_space<vmem>>, vector<1x1x16xf32>,
      %swap3A_607 = vector.shape_cast %swap3A_606 : vector<1x1x16xf32> to vector<16xf32>
      %swap3A_608 = vector.shape_cast %get3A_439 : vector<16xf32> to vector<1x1x16xf32>
      tpu.vector_store %arg5[%swap3A_603, %swap3A_604, %swap3A_605], %swap3A_608 {strides = array<i32>} : memref<5x16x256xf32, #tpu.memory_space<vmem>>, vector<1x1x16xf32>,
      %swap3A_609 = arith.index_cast %scan3A_465 : i32 to index
      %swap3A_610 = arith.index_cast %scan3A_543 : i32 to index
      %swap3A_611 = arith.constant 176 : index
      %swap3A_612 = tpu.vector_load %arg5[%swap3A_609, %swap3A_610, %swap3A_611] {strides = array<i32>} : memref<5x16x256xf32, #tpu.memory_space<vmem>>, vector<1x1x16xf32>,
      %swap3A_613 = vector.shape_cast %swap3A_612 : vector<1x1x16xf32> to vector<16xf32>
      %swap3A_614 = vector.shape_cast %get3A_444 : vector<16xf32> to vector<1x1x16xf32>
      tpu.vector_store %arg5[%swap3A_609, %swap3A_610, %swap3A_611], %swap3A_614 {strides = array<i32>} : memref<5x16x256xf32, #tpu.memory_space<vmem>>, vector<1x1x16xf32>,
      %swap3A_615 = arith.index_cast %scan3A_465 : i32 to index
      %swap3A_616 = arith.index_cast %scan3A_543 : i32 to index
      %swap3A_617 = arith.constant 192 : index
      %swap3A_618 = tpu.vector_load %arg5[%swap3A_615, %swap3A_616, %swap3A_617] {strides = array<i32>} : memref<5x16x256xf32, #tpu.memory_space<vmem>>, vector<1x1x16xf32>,
      %swap3A_619 = vector.shape_cast %swap3A_618 : vector<1x1x16xf32> to vector<16xf32>
      %swap3A_620 = vector.shape_cast %get3A_449 : vector<16xf32> to vector<1x1x16xf32>
      tpu.vector_store %arg5[%swap3A_615, %swap3A_616, %swap3A_617], %swap3A_620 {strides = array<i32>} : memref<5x16x256xf32, #tpu.memory_space<vmem>>, vector<1x1x16xf32>,
      %swap3A_621 = arith.index_cast %scan3A_465 : i32 to index
      %swap3A_622 = arith.index_cast %scan3A_543 : i32 to index
      %swap3A_623 = arith.constant 208 : index
      %swap3A_624 = tpu.vector_load %arg5[%swap3A_621, %swap3A_622, %swap3A_623] {strides = array<i32>} : memref<5x16x256xf32, #tpu.memory_space<vmem>>, vector<1x1x16xf32>,
      %swap3A_625 = vector.shape_cast %swap3A_624 : vector<1x1x16xf32> to vector<16xf32>
      %swap3A_626 = vector.shape_cast %get3A_454 : vector<16xf32> to vector<1x1x16xf32>
      tpu.vector_store %arg5[%swap3A_621, %swap3A_622, %swap3A_623], %swap3A_626 {strides = array<i32>} : memref<5x16x256xf32, #tpu.memory_space<vmem>>, vector<1x1x16xf32>,
      %swap3A_627 = arith.index_cast %scan3A_465 : i32 to index
      %swap3A_628 = arith.index_cast %scan3A_543 : i32 to index
      %swap3A_629 = arith.constant 224 : index
      %swap3A_630 = tpu.vector_load %arg5[%swap3A_627, %swap3A_628, %swap3A_629] {strides = array<i32>} : memref<5x16x256xf32, #tpu.memory_space<vmem>>, vector<1x1x16xf32>,
      %swap3A_631 = vector.shape_cast %swap3A_630 : vector<1x1x16xf32> to vector<16xf32>
      %swap3A_632 = vector.shape_cast %get3A_459 : vector<16xf32> to vector<1x1x16xf32>
      tpu.vector_store %arg5[%swap3A_627, %swap3A_628, %swap3A_629], %swap3A_632 {strides = array<i32>} : memref<5x16x256xf32, #tpu.memory_space<vmem>>, vector<1x1x16xf32>,
      %swap3A_633 = arith.index_cast %scan3A_465 : i32 to index
      %swap3A_634 = arith.index_cast %scan3A_543 : i32 to index
      %swap3A_635 = arith.constant 240 : index
      %swap3A_636 = tpu.vector_load %arg5[%swap3A_633, %swap3A_634, %swap3A_635] {strides = array<i32>} : memref<5x16x256xf32, #tpu.memory_space<vmem>>, vector<1x1x16xf32>,
      %swap3A_637 = vector.shape_cast %swap3A_636 : vector<1x1x16xf32> to vector<16xf32>
      %swap3A_638 = vector.shape_cast %get3A_464 : vector<16xf32> to vector<1x1x16xf32>
      tpu.vector_store %arg5[%swap3A_633, %swap3A_634, %swap3A_635], %swap3A_638 {strides = array<i32>} : memref<5x16x256xf32, #tpu.memory_space<vmem>>, vector<1x1x16xf32>,
    }
    %scan3A_470 = arith.constant 16 : i32
    %add3A_471 = arith.constant 128 : i32
    %add3A_472 = arith.addi %add3A, %add3A_471 : i32
    %scan3A_473 = arith.constant 4 : i32
    %scan3A_474 = arith.constant 0 : i32
    %scan3A_475 = arith.constant 256 : i32
    %scan3A_476 = arith.addi %scan3A_474, %scan3A_475 : i32
    %scan3A_477 = arith.constant 1 : i32
    scf.for %scan3A_543 = %scan3A_474 to %scan3A_476 step %scan3A_477  : i32 {
      %mul3A_544 = arith.constant 16 : i32
      %mul3A_545 = arith.muli %scan3A_543, %mul3A_544 : i32
      %dma_start3A = arith.constant 0 : i32
      %dma_start3A_546 = arith.constant 0 : i32
      %dma_start3A_547 = tpu.memref_slice %arg5[%scan3A_473, %dma_start3A, %dma_start3A_546] : memref<5x16x256xf32, #tpu.memory_space<vmem>> -> memref<1x16x256xf32, #tpu.memory_space<vmem>>
      %dma_start3A_548 = tpu.memref_squeeze %dma_start3A_547 : memref<1x16x256xf32, #tpu.memory_space<vmem>> -> memref<16x256xf32, #tpu.memory_space<vmem>>
      %dma_start3A_549 = arith.constant 0 : i32
      %dma_start3A_550 = tpu.memref_slice %arg3[%add3A_472, %mul3A_545, %dma_start3A_549] : memref<160x4096x256xf32, #tpu.memory_space<hbm>> -> memref<1x16x256xf32, #tpu.memory_space<hbm>>
      %dma_start3A_551 = tpu.memref_squeeze %dma_start3A_550 : memref<1x16x256xf32, #tpu.memory_space<hbm>> -> memref<16x256xf32, #tpu.memory_space<hbm>>
      %dma_start3A_552 = tpu.memref_slice %arg6[%scan3A_473] : memref<5x!tpu.dma_semaphore, #tpu.memory_space<semaphore_mem>> -> memref<1x!tpu.dma_semaphore, #tpu.memory_space<semaphore_mem>>
      %dma_start3A_553 = tpu.memref_squeeze %dma_start3A_552 : memref<1x!tpu.dma_semaphore, #tpu.memory_space<semaphore_mem>> -> memref<!tpu.dma_semaphore, #tpu.memory_space<semaphore_mem>>
      %dma_start3A_554 = arith.constant 0 : i32
      %dma_start3A_555 = tpu.memref_slice %arg3[%add3A_472, %mul3A_545, %dma_start3A_554] : memref<160x4096x256xf32, #tpu.memory_space<hbm>> -> memref<1x16x256xf32, #tpu.memory_space<hbm>>
      %dma_start3A_556 = tpu.memref_squeeze %dma_start3A_555 : memref<1x16x256xf32, #tpu.memory_space<hbm>> -> memref<16x256xf32, #tpu.memory_space<hbm>>
      %dma_start3A_557 = arith.constant 0 : i32
      %dma_start3A_558 = arith.constant 0 : i32
      %dma_start3A_559 = tpu.memref_slice %arg5[%scan3A_473, %dma_start3A_557, %dma_start3A_558] : memref<5x16x256xf32, #tpu.memory_space<vmem>> -> memref<1x16x256xf32, #tpu.memory_space<vmem>>
      %dma_start3A_560 = tpu.memref_squeeze %dma_start3A_559 : memref<1x16x256xf32, #tpu.memory_space<vmem>> -> memref<16x256xf32, #tpu.memory_space<vmem>>
      tpu.enqueue_dma source(%dma_start3A_560 : memref<16x256xf32, #tpu.memory_space<vmem>>) target(%dma_start3A_556 : memref<16x256xf32, #tpu.memory_space<hbm>>) target_semaphore(%dma_start3A_553 : memref<!tpu.dma_semaphore, #tpu.memory_space<semaphore_mem>>)
    }
    %scan3A_478 = arith.constant 256 : i32
    %add3A_479 = arith.constant 0 : i32
    %add3A_480 = arith.addi %add3A, %add3A_479 : i32
    %dma_wait3A = arith.constant 0 : i32
    %dma_wait3A_481 = tpu.memref_slice %arg6[%dma_wait3A] : memref<5x!tpu.dma_semaphore, #tpu.memory_space<semaphore_mem>> -> memref<1x!tpu.dma_semaphore, #tpu.memory_space<semaphore_mem>>
    %dma_wait3A_482 = tpu.memref_squeeze %dma_wait3A_481 : memref<1x!tpu.dma_semaphore, #tpu.memory_space<semaphore_mem>> -> memref<!tpu.dma_semaphore, #tpu.memory_space<semaphore_mem>>
    %dma_wait3A_483 = arith.constant 0 : i32
    %dma_wait3A_484 = arith.constant 0 : i32
    %dma_wait3A_485 = tpu.memref_slice %arg3[%add3A_480, %dma_wait3A_483, %dma_wait3A_484] : memref<160x4096x256xf32, #tpu.memory_space<hbm>> -> memref<1x4096x256xf32, #tpu.memory_space<hbm>>
    %dma_wait3A_486 = tpu.memref_squeeze %dma_wait3A_485 : memref<1x4096x256xf32, #tpu.memory_space<hbm>> -> memref<4096x256xf32, #tpu.memory_space<hbm>>
    %dma_wait3A_487 = arith.constant 0 : i32
    %dma_wait3A_488 = arith.constant 0 : i32
    %dma_wait3A_489 = tpu.memref_slice %arg3[%add3A_480, %dma_wait3A_487, %dma_wait3A_488] : memref<160x4096x256xf32, #tpu.memory_space<hbm>> -> memref<1x4096x256xf32, #tpu.memory_space<hbm>>
    %dma_wait3A_490 = tpu.memref_squeeze %dma_wait3A_489 : memref<1x4096x256xf32, #tpu.memory_space<hbm>> -> memref<4096x256xf32, #tpu.memory_space<hbm>>
    tpu.wait_dma2 semaphore(%dma_wait3A_482 : memref<!tpu.dma_semaphore, #tpu.memory_space<semaphore_mem>>) src(%dma_wait3A_490 : memref<4096x256xf32, #tpu.memory_space<hbm>>) dst(%dma_wait3A_486 : memref<4096x256xf32, #tpu.memory_space<hbm>>)
    %add3A_491 = arith.constant 32 : i32
    %add3A_492 = arith.addi %add3A, %add3A_491 : i32
    %dma_wait3A_493 = arith.constant 1 : i32
    %dma_wait3A_494 = tpu.memref_slice %arg6[%dma_wait3A_493] : memref<5x!tpu.dma_semaphore, #tpu.memory_space<semaphore_mem>> -> memref<1x!tpu.dma_semaphore, #tpu.memory_space<semaphore_mem>>
    %dma_wait3A_495 = tpu.memref_squeeze %dma_wait3A_494 : memref<1x!tpu.dma_semaphore, #tpu.memory_space<semaphore_mem>> -> memref<!tpu.dma_semaphore, #tpu.memory_space<semaphore_mem>>
    %dma_wait3A_496 = arith.constant 0 : i32
    %dma_wait3A_497 = arith.constant 0 : i32
    %dma_wait3A_498 = tpu.memref_slice %arg3[%add3A_492, %dma_wait3A_496, %dma_wait3A_497] : memref<160x4096x256xf32, #tpu.memory_space<hbm>> -> memref<1x4096x256xf32, #tpu.memory_space<hbm>>
    %dma_wait3A_499 = tpu.memref_squeeze %dma_wait3A_498 : memref<1x4096x256xf32, #tpu.memory_space<hbm>> -> memref<4096x256xf32, #tpu.memory_space<hbm>>
    %dma_wait3A_500 = arith.constant 0 : i32
    %dma_wait3A_501 = arith.constant 0 : i32
    %dma_wait3A_502 = tpu.memref_slice %arg3[%add3A_492, %dma_wait3A_500, %dma_wait3A_501] : memref<160x4096x256xf32, #tpu.memory_space<hbm>> -> memref<1x4096x256xf32, #tpu.memory_space<hbm>>
    %dma_wait3A_503 = tpu.memref_squeeze %dma_wait3A_502 : memref<1x4096x256xf32, #tpu.memory_space<hbm>> -> memref<4096x256xf32, #tpu.memory_space<hbm>>
    tpu.wait_dma2 semaphore(%dma_wait3A_495 : memref<!tpu.dma_semaphore, #tpu.memory_space<semaphore_mem>>) src(%dma_wait3A_503 : memref<4096x256xf32, #tpu.memory_space<hbm>>) dst(%dma_wait3A_499 : memref<4096x256xf32, #tpu.memory_space<hbm>>)
    %add3A_504 = arith.constant 64 : i32
    %add3A_505 = arith.addi %add3A, %add3A_504 : i32
    %dma_wait3A_506 = arith.constant 2 : i32
    %dma_wait3A_507 = tpu.memref_slice %arg6[%dma_wait3A_506] : memref<5x!tpu.dma_semaphore, #tpu.memory_space<semaphore_mem>> -> memref<1x!tpu.dma_semaphore, #tpu.memory_space<semaphore_mem>>
    %dma_wait3A_508 = tpu.memref_squeeze %dma_wait3A_507 : memref<1x!tpu.dma_semaphore, #tpu.memory_space<semaphore_mem>> -> memref<!tpu.dma_semaphore, #tpu.memory_space<semaphore_mem>>
    %dma_wait3A_509 = arith.constant 0 : i32
    %dma_wait3A_510 = arith.constant 0 : i32
    %dma_wait3A_511 = tpu.memref_slice %arg3[%add3A_505, %dma_wait3A_509, %dma_wait3A_510] : memref<160x4096x256xf32, #tpu.memory_space<hbm>> -> memref<1x4096x256xf32, #tpu.memory_space<hbm>>
    %dma_wait3A_512 = tpu.memref_squeeze %dma_wait3A_511 : memref<1x4096x256xf32, #tpu.memory_space<hbm>> -> memref<4096x256xf32, #tpu.memory_space<hbm>>
    %dma_wait3A_513 = arith.constant 0 : i32
    %dma_wait3A_514 = arith.constant 0 : i32
    %dma_wait3A_515 = tpu.memref_slice %arg3[%add3A_505, %dma_wait3A_513, %dma_wait3A_514] : memref<160x4096x256xf32, #tpu.memory_space<hbm>> -> memref<1x4096x256xf32, #tpu.memory_space<hbm>>
    %dma_wait3A_516 = tpu.memref_squeeze %dma_wait3A_515 : memref<1x4096x256xf32, #tpu.memory_space<hbm>> -> memref<4096x256xf32, #tpu.memory_space<hbm>>
    tpu.wait_dma2 semaphore(%dma_wait3A_508 : memref<!tpu.dma_semaphore, #tpu.memory_space<semaphore_mem>>) src(%dma_wait3A_516 : memref<4096x256xf32, #tpu.memory_space<hbm>>) dst(%dma_wait3A_512 : memref<4096x256xf32, #tpu.memory_space<hbm>>)
    %add3A_517 = arith.constant 96 : i32
    %add3A_518 = arith.addi %add3A, %add3A_517 : i32
    %dma_wait3A_519 = arith.constant 3 : i32
    %dma_wait3A_520 = tpu.memref_slice %arg6[%dma_wait3A_519] : memref<5x!tpu.dma_semaphore, #tpu.memory_space<semaphore_mem>> -> memref<1x!tpu.dma_semaphore, #tpu.memory_space<semaphore_mem>>
    %dma_wait3A_521 = tpu.memref_squeeze %dma_wait3A_520 : memref<1x!tpu.dma_semaphore, #tpu.memory_space<semaphore_mem>> -> memref<!tpu.dma_semaphore, #tpu.memory_space<semaphore_mem>>
    %dma_wait3A_522 = arith.constant 0 : i32
    %dma_wait3A_523 = arith.constant 0 : i32
    %dma_wait3A_524 = tpu.memref_slice %arg3[%add3A_518, %dma_wait3A_522, %dma_wait3A_523] : memref<160x4096x256xf32, #tpu.memory_space<hbm>> -> memref<1x4096x256xf32, #tpu.memory_space<hbm>>
    %dma_wait3A_525 = tpu.memref_squeeze %dma_wait3A_524 : memref<1x4096x256xf32, #tpu.memory_space<hbm>> -> memref<4096x256xf32, #tpu.memory_space<hbm>>
    %dma_wait3A_526 = arith.constant 0 : i32
    %dma_wait3A_527 = arith.constant 0 : i32
    %dma_wait3A_528 = tpu.memref_slice %arg3[%add3A_518, %dma_wait3A_526, %dma_wait3A_527] : memref<160x4096x256xf32, #tpu.memory_space<hbm>> -> memref<1x4096x256xf32, #tpu.memory_space<hbm>>
    %dma_wait3A_529 = tpu.memref_squeeze %dma_wait3A_528 : memref<1x4096x256xf32, #tpu.memory_space<hbm>> -> memref<4096x256xf32, #tpu.memory_space<hbm>>
    tpu.wait_dma2 semaphore(%dma_wait3A_521 : memref<!tpu.dma_semaphore, #tpu.memory_space<semaphore_mem>>) src(%dma_wait3A_529 : memref<4096x256xf32, #tpu.memory_space<hbm>>) dst(%dma_wait3A_525 : memref<4096x256xf32, #tpu.memory_space<hbm>>)
    %add3A_530 = arith.constant 128 : i32
    %add3A_531 = arith.addi %add3A, %add3A_530 : i32
    %dma_wait3A_532 = arith.constant 4 : i32
    %dma_wait3A_533 = tpu.memref_slice %arg6[%dma_wait3A_532] : memref<5x!tpu.dma_semaphore, #tpu.memory_space<semaphore_mem>> -> memref<1x!tpu.dma_semaphore, #tpu.memory_space<semaphore_mem>>
    %dma_wait3A_534 = tpu.memref_squeeze %dma_wait3A_533 : memref<1x!tpu.dma_semaphore, #tpu.memory_space<semaphore_mem>> -> memref<!tpu.dma_semaphore, #tpu.memory_space<semaphore_mem>>
    %dma_wait3A_535 = arith.constant 0 : i32
    %dma_wait3A_536 = arith.constant 0 : i32
    %dma_wait3A_537 = tpu.memref_slice %arg3[%add3A_531, %dma_wait3A_535, %dma_wait3A_536] : memref<160x4096x256xf32, #tpu.memory_space<hbm>> -> memref<1x4096x256xf32, #tpu.memory_space<hbm>>
    %dma_wait3A_538 = tpu.memref_squeeze %dma_wait3A_537 : memref<1x4096x256xf32, #tpu.memory_space<hbm>> -> memref<4096x256xf32, #tpu.memory_space<hbm>>
    %dma_wait3A_539 = arith.constant 0 : i32
    %dma_wait3A_540 = arith.constant 0 : i32
    %dma_wait3A_541 = tpu.memref_slice %arg3[%add3A_531, %dma_wait3A_539, %dma_wait3A_540] : memref<160x4096x256xf32, #tpu.memory_space<hbm>> -> memref<1x4096x256xf32, #tpu.memory_space<hbm>>
    %dma_wait3A_542 = tpu.memref_squeeze %dma_wait3A_541 : memref<1x4096x256xf32, #tpu.memory_space<hbm>> -> memref<4096x256xf32, #tpu.memory_space<hbm>>
    tpu.wait_dma2 semaphore(%dma_wait3A_534 : memref<!tpu.dma_semaphore, #tpu.memory_space<semaphore_mem>>) src(%dma_wait3A_542 : memref<4096x256xf32, #tpu.memory_space<hbm>>) dst(%dma_wait3A_538 : memref<4096x256xf32, #tpu.memory_space<hbm>>)
    return
  }
}

</mosaic_0001>

<sc_bundles>
// kernel: kernel.3.cloned.1.call-start
scs
__scs_entry_jumppad:
0x0: {  	(pc) =	sbr.rel $0x88, $3  }
0x1: {  	(tag) =	ssettag $0x0;
	lr =	simm.s32 $0x1  }
0x2: {  	[smem:$0x3FA0] =	sst lr;
	_ =	strace $0xD0000000  }
0x3: {  	_ = 	snop  }
0x4: {  	_ = 	snop  }
0x5: {  	_ = 	snop  }
0x6: {  	_ = 	snop  }
0x7: {  	_ = 	snop  }
__scs_overlays_trampoline_lowered:
0x8: {  	[smem:$0x3FAF] =	sst s0  }
0x9: {  	[smem:$0x3FB0] =	sst s1  }
0xa: {  	[smem:$0x3FB1] =	sst s2  }
0xb: {  	[smem:$0x3FB2] =	sst s3  }
0xc: {  	[smem:$0x3FB3] =	sst s4  }
0xd: {  	[smem:$0x3FB4] =	sst s5  }
0xe: {  	[smem:$0x3FB5] =	sst s6  }
0xf: {  	[smem:$0x3FB6] =	sst s7  }
0x10: {  	[smem:$0x3FB7] =	sst s8  }
0x11: {  	[smem:$0x3FB8] =	sst s9;
	s0 =	simm.s32 @!p0 $0x0  }
0x12: {  	s1 =	sld [smem:$0x3F9E];
	s0 =	simm.s32 @p0 $0x1  }
0x13: {  	[smem:$0x3FB9] =	sst s0;
	s0 =	simm.s32 @!p1 $0x0  }
0x14: {  	s2 =	sld [smem:$0x3F9D];
	s0 =	simm.s32 @p1 $0x1  }
0x15: {  	[smem:$0x3FBA] =	sst s0;
	s0 =	simm.s32 @!p2 $0x0  }
0x16: {  	s3 =	sld [smem:$0x3FDB];
	s0 =	simm.s32 @p2 $0x1  }
0x17: {  	s4 =	simm.s32 $0x1BF5;
	[smem:$0x3FBC] =	sst s0  }
0x18: {  	s0 =	sld [smem:$0x3F9F];
	_ =	swait.ge [sflag:s4], $0x0  }
0x19: {  	s7 =	sld [smem:$0x3FA0]  }
0x1a: {  	s8 =	sadd.s32 $0xFFFFE003, lr  }
0x1b: {  	s9 =	sadd.s32 $0xFFFFFEF7, lr;
	s5 =	simm.s32 $0xFFFFFFFF;
	p2 =	slt.u32 s8, $0xFFFFF086  }
0x1c: {  	p1 =	slt.u32 s9, $0xF7A;
	s5 =	simm.s32 @!p2 $0x0  }
0x1d: {  	s5 =	simm.s32 @p1 $0x1;
	p0 =	seq.s32 s7, s2  }
0x1e: {  	s7 =	smul.u32 @!p0 $0xF7A, s2;
	p2 =	seq.s32 @!p0 s5, $0x0  }
0x1f: {  	s9 =	smul.u32 $0xF7A, s1;
	s8 =	simm.s32 @!p0 $0x1BF5;
	p2 =	por !p2, p0  }
0x20: {  	[sflag:s8] =	ssyncset.s32 @!p0 $0xFFFFF086;
	s6 =	sadd.s32 @!p0 s3, s7;
	s7 =	simm.s32 @!p0 $0x108  }
0x21: {  	s3 =	sadd.s32 s3, s9;
	s6 =	sadd.s32 @!p0 $0x88, s6;
	s7 =	simm.s32 @p2 $0x1082  }
0x22: {  	[simem:s7], [sflag:s8] =	dma.local @!p0 [hbm:s6], $0xF7A  }
0x23: {  	s9 =	sor.u32 $0xD0000000, s2;
	s6 =	simm.s32 $0x108;
	_ =	swait.ge @!p0 [sflag:s8], $0x0  }
0x24: {  	s3 =	sadd.s32 $0x88, s3;
	s6 =	simm.s32 @!p1 $0x1082;
	[sflag:s4] =	ssyncset.s32 $0xFFFFF086  }
0x25: {  	[simem:s6], [sflag:s4] =	dma.local [hbm:s3], $0xF7A  }
0x26: {  	[smem:$0x3FA0] =	sst s1;
	(tag) =	ssettag s2;
	_ =	strace s9  }
0x27: {  	s1 =	sld [smem:$0x3FB0]  }
0x28: {  	s2 =	sld [smem:$0x3FB1]  }
0x29: {  	s4 =	sld [smem:$0x3FB3]  }
0x2a: {  	p0 =	seq.s32 s5, $0x0;
	s5 =	sld [smem:$0x3FB4]  }
0x2b: {  	s6 =	sld [smem:$0x3FB5]  }
0x2c: {  	s7 =	sld [smem:$0x3FB6]  }
0x2d: {  	s3 =	simm.s32 $0x108;
	s8 =	sld [smem:$0x3FB7]  }
0x2e: {  	s3 =	simm.s32 @!p0 $0x1082;
	s9 =	sld [smem:$0x3FB8]  }
0x2f: {  	lr =	sadd.s32 s0, s3;
	s0 =	sld [smem:$0x3FAF]  }
0x30: {  	s3 =	sld [smem:$0x3FB2]  }
0x31: {  	[smem:$0x3FBB] =	sst s10  }
0x32: {  	s10 =	sld [smem:$0x3FB9];
	_ =	sdelay $0x3  }
0x33: {  	p0 =	seq.s32 s10, $0x1;
	s10 =	sld [smem:$0x3FBB];
	_ =	sdelay $0x3  }
0x34: {  	[smem:$0x3FBB] =	sst s10  }
0x35: {  	s10 =	sld [smem:$0x3FBA];
	_ =	sdelay $0x3  }
0x36: {  	p1 =	seq.s32 s10, $0x1;
	s10 =	sld [smem:$0x3FBB];
	_ =	sdelay $0x3  }
0x37: {  	[smem:$0x3FBB] =	sst s10  }
0x38: {  	s10 =	sld [smem:$0x3FBC]  }
0x39: {  	_ = 	snop;
	(pc) =	sbr.ind lr, $3  }
0x3a: {  	_ = 	snop  }
0x3b: {  	_ = 	snop  }
0x3c: {  	p2 =	seq.s32 s10, $0x1;
	s10 =	sld [smem:$0x3FBB]  }
0x3d: {  	_ =	shalt  }
0x3e: {  	_ =	shalt  }
0x3f: {  	_ =	shalt  }
0x40: {  	_ =	shalt  }
0x41: {  	_ =	shalt  }
0x42: {  	_ =	shalt  }
0x43: {  	_ =	shalt  }
0x44: {  	_ =	shalt  }
0x45: {  	_ =	shalt  }
0x46: {  	_ =	shalt  }
0x47: {  	_ =	shalt  }
0x48: {  	_ =	shalt  }
0x49: {  	_ =	shalt  }
0x4a: {  	_ =	shalt  }
0x4b: {  	_ =	shalt  }
0x4c: {  	_ =	shalt  }
0x4d: {  	_ =	shalt  }
0x4e: {  	_ =	shalt  }
0x4f: {  	_ =	shalt  }
0x50: {  	_ =	shalt  }
0x51: {  	_ =	shalt  }
0x52: {  	_ =	shalt  }
0x53: {  	_ =	shalt  }
0x54: {  	_ =	shalt  }
0x55: {  	_ =	shalt  }
0x56: {  	_ =	shalt  }
0x57: {  	_ =	shalt  }
0x58: {  	_ =	shalt  }
0x59: {  	_ =	shalt  }
0x5a: {  	_ =	shalt  }
0x5b: {  	_ =	shalt  }
0x5c: {  	_ =	shalt  }
0x5d: {  	_ =	shalt  }
0x5e: {  	_ =	shalt  }
0x5f: {  	_ =	shalt  }
0x60: {  	_ =	shalt  }
0x61: {  	_ =	shalt  }
0x62: {  	_ =	shalt  }
0x63: {  	_ =	shalt  }
0x64: {  	_ =	shalt  }
0x65: {  	_ =	shalt  }
0x66: {  	_ =	shalt  }
0x67: {  	_ =	shalt  }
0x68: {  	_ =	shalt  }
0x69: {  	_ =	shalt  }
0x6a: {  	_ =	shalt  }
0x6b: {  	_ =	shalt  }
0x6c: {  	_ =	shalt  }
0x6d: {  	_ =	shalt  }
0x6e: {  	_ =	shalt  }
0x6f: {  	_ =	shalt  }
0x70: {  	_ =	shalt  }
0x71: {  	_ =	shalt  }
0x72: {  	_ =	shalt  }
0x73: {  	_ =	shalt  }
0x74: {  	_ =	shalt  }
0x75: {  	_ =	shalt  }
0x76: {  	_ =	shalt  }
0x77: {  	_ =	shalt  }
0x78: {  	_ =	shalt  }
0x79: {  	_ =	shalt  }
0x7a: {  	_ =	shalt  }
0x7b: {  	_ =	shalt  }
0x7c: {  	_ =	shalt  }
0x7d: {  	_ =	shalt  }
0x7e: {  	_ =	shalt  }
0x7f: {  	_ =	shalt  }
0x80: {  	_ =	shalt  }
0x81: {  	_ =	shalt  }
0x82: {  	_ =	shalt  }
0x83: {  	_ =	shalt  }
0x84: {  	_ =	shalt  }
0x85: {  	_ =	shalt  }
0x86: {  	_ =	shalt  }
0x87: {  	_ =	shalt  }
.Lfunc_end0:
.L_simem_size_0:
called_computation_lowered:
.L_overlay_start_0:
0x88: {  	s2 =	sld [smem:$0x3FD9]  }
0x89: {  	s3 =	sld [smem:$0x3FFE];
	_ =	sdelay $0x1  }
0x8a: {  	s1 =	srdreg.scid  }
0x8b: {  	s0 =	sand.u32 $0x1, s1  }
0x8c: {  	s18 =	sshll.u32 s0, $0xA;
	s2 =	sadd.s32 s3, s2  }
0x8d: {  	s2 =	sadd.s32 s2, s18  }
0x8e: {  	[smem:$0x3FC7] =	sst s2  }
0x8f: {  	_ = 	snop  }
0x90: {  	s2 =	sld [smem:$0x3FC9]  }
0x91: {  	s19 =	sld [smem:$0x3FD0];
	(tm) =	ssettm $0x1  }
0x92: {  	s4 =	sld [smem:$0x3FFB];
	_ =	sdelay $0x3  }
0x93: {  	_ =	strace s4  }
0x94: {  	s4 =	sld [smem:$0x3FFC];
	_ =	sdelay $0x3  }
0x95: {  	_ =	strace s4  }
0x96: {  	s4 =	sld [smem:$0x3FFD];
	_ =	sdelay $0x3  }
0x97: {  	_ =	strace s4  }
0x98: {  	_ =	strace $0x8FFFFFFF  }
0x99: {  	s20 =	sld [smem:$0x3FDB];
	_ =	sdelay $0x1  }
0x9a: {  	s5 =	simm.s32 $_scs_section_size  }
0x9b: {  	s6 =	simm.s32 $_size__tile_overlayer_lowered;
	s7 =	simm.s32 $_tile_overlayer_lowered  }
0x9c: {  	s23 =	simm.s32 $0x1BFF;
	s22 =	sshll.u32 s7, $0x1;
	s4 =	sadd.s32 s5, s20  }
0x9d: {  	s8 =	simm.s32 $0x0;
	s21 =	sshll.u32 s6, $0x1;
	s6 =	sadd.s32 s22, s4  }
0x9e: {  	[timem:s8], [sflag:s23] =	dma.local [hbm:s6], s21  }
0x9f: {  	_ =	swait.ge [sflag:s23], s21  }
0xa0: {  	s5 =	ssub.s32 $0x0, s21;
	[sflag:s23] =	ssyncset.done $0x0  }
0xa1: {  	[sflag:s23] =	ssyncadd.s32 s5;
	_ =	sdelay $0x1  }
0xa2: {  	s24 =	simm.s32 $0x1B8B  }
0xa3: {  	_ =	swait.ge [sflag:s24], $0x1  }
0xa4: {  	[sflag:s24] =	ssyncset.done $0x0  }
0xa5: {  	s25 =	simm.s32 $0x1B8E;
	[sflag:s24] =	ssyncadd.s32 $0xFFFFFFFF  }
0xa6: {  	s26 =	simm.s32 $execute0_lowered;
	[smem:$0x3FD2] =	sst s25  }
0xa7: {  	s5 =	sshll.u32 s26, $0x1;
	_ =	strace $0x80000046;
	[dreg:$0x1] =	wrdreg $0xFFFFFFFF  }
0xa8: {  	s28 =	simm.s32 $_size_execute0_lowered;
	s4 =	sadd.s32 s4, s5;
	[dreg:$0x0] =	wrdreg $0x0  }
0xa9: {  	s5 =	sshll.u32 s28, $0x1;
	[dreg:$0x2] =	wrdreg s4  }
0xaa: {  	[dreg:$0x3] =	wrdreg s5  }
0xab: {  	[dreg:$0x4] =	wrdreg $0xC0  }
0xac: {  	_ =	task [dreg:s8], $0x5FFFF  }
0xad: {  	[dreg:$0x1] =	wrdreg $0xFFFFFFFF  }
0xae: {  	[dreg:$0x0] =	wrdreg $0x60  }
0xaf: {  	[dreg:$0x2] =	wrdreg s2  }
0xb0: {  	[dreg:$0x3] =	wrdreg s19  }
0xb1: {  	[dreg:$0x4] =	wrdreg $0x9  }
0xb2: {  	_ =	task.clear_ibuf [dreg:s8], $0x5FFFF;
	_ =	strace $0x90000046  }
0xb3: {  	s29 =	simm.s32 $0x9;
	_ =	strace $0x80000048  }
0xb4: {  	_ =	swait.ge [sflag:s29], $0x1  }
0xb5: {  	[sflag:s29] =	ssyncadd.s32 $0xFFFFFFFF  }
0xb6: {  	_ =	strace $0x90000048  }
0xb7: {  	_ =	sfence  }
0xb8: {  	s30 =	sld [smem:$0x0];
	_ =	sdelay $0x2  }
0xb9: {  	s31 =	sshll.u32 s1, $0xD;
	s1 =	sshrl.u32 s1, $0x2  }
0xba: {  	s3 =	sand.u32 $0x4000, s31;
	s1 =	sadd.s32 s1, s30  }
0xbb: {  	s0 =	sor.u32 s3, s0;
	s1 =	sshll.u32 s1, $0x11  }
0xbc: {  	s0 =	sor.u32 s1, s0  }
0xbd: {  	s0 =	sadd.s32 $0x8F2B, s0  }
0xbe: {  	[sflag:s0] =	ssyncadd.remote.s32 $0x1  }
0xbf: {  	_ =	sfence.sel $0xFFFF  }
0xc0: {  	[dreg:$0x0] =	wrdreg $0xFFFFFFFF;
	(pc) =	sbr.abs _section_cstart, $3  }
0xc1: {  	[dreg:$0x1] =	wrdreg $0xFFFFFFFF  }
0xc2: {  	_ =	task.clear_ibuf [dreg:s8], $0x2FFFF;
	_ =	strace $0x9FFFFFFF  }
0xc3: {  	(tm) =	ssettm $0x7FFFFFFF  }
tec
execute0_lowered:
.L_overlay_start_1:
0x0: {  	(tag) =	ssettag $0x1  }
0x1: {  	s0 =	rddreg [dreg:$0x0]  }
0x2: {  	s1 =	rddreg [dreg:$0x1];
	s2 =	simm.s32 $0x0  }
0x3: {  	s3 =	srdreg.scid;
	s11 =	stileid.u32;
	s16 =	simm.s32 $0x6  }
0x4: {  	s29 =	simm.s32 $0x800;
	s30 =	simm.s32 $0x1800;
	s31 =	simm.s32 $0x2800  }
0x5: {  	[smem:$0x7FF] =	sst s2;
	s3 =	sand.u32 $0x1, s3;
	s5 =	sshll.u32 s11, $0x8  }
0x6: {  	s8 =	sshll.u32 s11, $0x9;
	s25 =	sshll.u32 s11, $0x12;
	_ =	strace $0x80000047  }
0x7: {  	s4 =	ssub.s32 $0x2, s3;
	s6 =	sshll.u32 s3, $0x7;
	s17 =	sand.u32 $0x1800, s8  }
0x8: {  	s18 =	sor.u32 $0x2000, s8;
	s20 =	sor.u32 $0x4000, s8;
	s23 =	sor.u32 $0x6000, s8  }
0x9: {  	s24 =	sor.u32 $0x8000, s8;
	s1 =	sadd.s32 s25, s1;
	s3 =	sshll.u32 s3, $0x11  }
0xa: {  	s7 =	sshrl.u32 s4, $0x1;
	s5 =	sor.u32 s6, s5;
	s22 =	sand.u32 $0x5800, s20  }
0xb: {  	s6 =	sand.u32 $0x7800, s23;
	s8 =	sadd.s32 s3, s1;
	s1 =	simm.s32 $0x4800  }
0xc: {  	s20 =	simm.s32 $0x4;
	s23 =	simm.s32 $0x0;
	s9 =	sand.u32 $0x380, s5  }
0xd: {  	s10 =	ssub.s32 s4, s7;
	s5 =	sand.u32 $0x3800, s18;
	s7 =	sand.u32 $0x9800, s24  }
0xe: {  	s11 =	sadd.s32 $0x400000, s8;
	s13 =	sadd.s32 $0xC00000, s8;
	s14 =	sadd.s32 $0x1000000, s8  }
0xf: {  	s19 =	sor.u32 s17, s9;
	s5 =	sor.u32 s9, s5;
	s6 =	sor.u32 s9, s6  }
0x10: {  	s7 =	sor.u32 s9, s7;
	s26 =	smax.u32 s10, $0x1;
	s17 =	simm.s32 $0x2  }
0x11: {  	s4 =	sshrl.u32 s19, $0x3;
	s21 =	sshrl.u32 s5, $0x3;
	s5 =	sor.u32 s9, s22  }
0x12: {  	s6 =	sshrl.u32 s6, $0x3;
	s7 =	sshrl.u32 s7, $0x3;
	[dreg:$0x3] =	wrdreg s26  }
0x13: {  	s19 =	simm.s32 $0x3;
	s22 =	simm.s32 $0x5;
	s12 =	sadd.s32 s0, s4  }
0x14: {  	s15 =	sadd.s32 s0, s21;
	s5 =	sshrl.u32 s5, $0x3;
	s6 =	sadd.s32 s0, s6  }
0x15: {  	s7 =	sadd.s32 s0, s7;
	s5 =	sadd.s32 s0, s5;
	s4 =	smov.u32 s12  }
0x16: {  	s28 =	sadd.s32 $0x80, s12;
	s12 =	sadd.s32 $0x800000, s8;
	s10 =	smov.u32 s15  }
0x17: {  	s18 =	sadd.s32 $0x80, s15;
	s24 =	sadd.s32 $0x80, s6;
	s0 =	simm.s32 $0x3800  }
0x18: {  	s15 =	simm.s32 $0x1;
	[dreg:$0x4] =	wrdreg s28;
	s21 =	sadd.s32 $0x80, s5  }
.LBB2_1:
0x19: {  	[tilespmem:s2], [sflag:$0x6] =	stream.linear.gather [hbm4b:s4+s2], $0x80, $0x38;
	[tilespmem:$0x5800] =	vst v63  }
0x1a: {  	s3 =	rddreg [dreg:$0x4];
	s9 =	simm.s32 $0x400  }
0x1b: {  	[tilespmem:s9], [sflag:$0x6] =	stream.linear.gather [hbm4b:s3+s2], $0x80, $0x38;
	[tilespmem:$0x5800] =	vst v63  }
0x1c: {  	_ =	swait.ge [sflag:s16], $0x100  }
0x1d: {  	[sflag:s16] =	ssyncset.done $0x0  }
0x1e: {  	s9 =	simm.s32 $0x80;
	[sflag:s16] =	ssyncadd.s32 $0xFFFFFF00  }
0x1f: {  	[tilespmem:s9], [sflag:$0x6] =	stream.linear.gather [hbm4b:s10+s2], $0x80, $0x38;
	[tilespmem:$0x5800] =	vst v63  }
0x20: {  	s25 =	simm.s32 $0x480  }
0x21: {  	[tilespmem:s25], [sflag:$0x6] =	stream.linear.gather [hbm4b:s18+s2], $0x80, $0x38;
	[tilespmem:$0x5800] =	vst v63  }
0x22: {  	_ =	swait.ge [sflag:s16], $0x100  }
0x23: {  	[sflag:s16] =	ssyncset.done $0x0  }
0x24: {  	s26 =	simm.s32 $0x100;
	[sflag:s16] =	ssyncadd.s32 $0xFFFFFF00  }
0x25: {  	[tilespmem:s26], [sflag:$0x6] =	stream.linear.gather [hbm4b:s5+s2], $0x80, $0x38;
	[tilespmem:$0x5800] =	vst v63  }
0x26: {  	s9 =	simm.s32 $0x500  }
0x27: {  	[tilespmem:s9], [sflag:$0x6] =	stream.linear.gather [hbm4b:s21+s2], $0x80, $0x38;
	[tilespmem:$0x5800] =	vst v63  }
0x28: {  	_ =	swait.ge [sflag:s16], $0x100  }
0x29: {  	[sflag:s16] =	ssyncset.done $0x0  }
0x2a: {  	s25 =	simm.s32 $0x180;
	[sflag:s16] =	ssyncadd.s32 $0xFFFFFF00  }
0x2b: {  	[tilespmem:s25], [sflag:$0x6] =	stream.linear.gather [hbm4b:s6+s2], $0x80, $0x38;
	[tilespmem:$0x5800] =	vst v63  }
0x2c: {  	s26 =	simm.s32 $0x580  }
0x2d: {  	[tilespmem:s26], [sflag:$0x6] =	stream.linear.gather [hbm4b:s24+s2], $0x80, $0x38;
	[tilespmem:$0x5800] =	vst v63  }
0x2e: {  	_ =	swait.ge [sflag:s16], $0x100  }
0x2f: {  	[sflag:s16] =	ssyncset.done $0x0  }
0x30: {  	s9 =	simm.s32 $0x200;
	[sflag:s16] =	ssyncadd.s32 $0xFFFFFF00  }
0x31: {  	[tilespmem:s9], [sflag:$0x6] =	stream.linear.gather [hbm4b:s7+s2], $0x80, $0x38;
	[tilespmem:$0x5800] =	vst v63  }
0x32: {  	s25 =	sadd.s32 $0x80, s7;
	s26 =	simm.s32 $0x600  }
0x33: {  	[tilespmem:s26], [sflag:$0x6] =	stream.linear.gather [hbm4b:s25+s2], $0x80, $0x38;
	[tilespmem:$0x5800] =	vst v63  }
0x34: {  	_ =	swait.ge [sflag:s16], $0x100  }
0x35: {  	[sflag:s16] =	ssyncset.done $0x0  }
0x36: {  	[sflag:s16] =	ssyncadd.s32 $0xFFFFFF00  }
0x37: {  	v0 =	vld [tilespmem:$0x0]  }
0x38: {  	v1 =	vld [tilespmem:$0x10]  }
0x39: {  	v2 =	vld [tilespmem:$0x20]  }
0x3a: {  	v3 =	vld [tilespmem:$0x30]  }
0x3b: {  	v4 =	vld [tilespmem:$0x40]  }
0x3c: {  	v5 =	vld [tilespmem:$0x50]  }
0x3d: {  	v6 =	vld [tilespmem:$0x60]  }
0x3e: {  	v7 =	vld [tilespmem:$0x70]  }
0x3f: {  	v8 =	vld [tilespmem:$0x400]  }
0x40: {  	v9 =	vld [tilespmem:$0x410]  }
0x41: {  	v15 =	vld [tilespmem:$0x470]  }
0x42: {  	v10 =	vld [tilespmem:$0x420]  }
0x43: {  	v11 =	vld [tilespmem:$0x430]  }
0x44: {  	s25 =	sand.u32 $0x800, s2;
	s26 =	sand.u32 $0x380, s2;
	v12 =	vld [tilespmem:$0x440]  }
0x45: {  	s25 =	sor.u32 s26, s25;
	v13 =	vld [tilespmem:$0x450]  }
0x46: {  	v14 =	vld [tilespmem:$0x460];
	[tilespmem:s25+$0xC70] =	vst v15  }
0x47: {  	[tilespmem:s25+$0x800] =	vst v0  }
0x48: {  	[tilespmem:s25+$0x810] =	vst v1  }
0x49: {  	[tilespmem:s25+$0x820] =	vst v2  }
0x4a: {  	[tilespmem:s25+$0x830] =	vst v3  }
0x4b: {  	[tilespmem:s25+$0x840] =	vst v4  }
0x4c: {  	[tilespmem:s25+$0x850] =	vst v5  }
0x4d: {  	[tilespmem:s25+$0x860] =	vst v6  }
0x4e: {  	[tilespmem:s25+$0x870] =	vst v7  }
0x4f: {  	[tilespmem:s25+$0xC00] =	vst v8  }
0x50: {  	[tilespmem:s25+$0xC10] =	vst v9  }
0x51: {  	[tilespmem:s25+$0xC20] =	vst v10  }
0x52: {  	[tilespmem:s25+$0xC30] =	vst v11  }
0x53: {  	s9 =	simm.s32 $0x100;
	s26 =	simm.s32 $0x80;
	[tilespmem:s25+$0xC40] =	vst v12  }
0x54: {  	s28 =	simm.s32 $0x200;
	s3 =	sand.u32 $0x800, s9;
	s9 =	sand.u32 $0x380, s26;
	[tilespmem:s25+$0xC50] =	vst v13  }
.LBB2_2:
0x55: {  	p0 =	sne.s32 s28, $0xF00;
	[tilespmem:s25+$0xC60] =	vst v14;
	s25 =	sor.u32 s9, s3  }
0x56: {  	[tilespmem:s25+$0xC70] =	vst v15  }
0x57: {  	[tilespmem:s25+$0x800] =	vst v0  }
0x58: {  	[tilespmem:s25+$0x810] =	vst v1  }
0x59: {  	[tilespmem:s25+$0x820] =	vst v2  }
0x5a: {  	[tilespmem:s25+$0x830] =	vst v3  }
0x5b: {  	[tilespmem:s25+$0x840] =	vst v4  }
0x5c: {  	[tilespmem:s25+$0x850] =	vst v5  }
0x5d: {  	[tilespmem:s25+$0x860] =	vst v6  }
0x5e: {  	[tilespmem:s25+$0x870] =	vst v7  }
0x5f: {  	[tilespmem:s25+$0xC00] =	vst v8  }
.Ltmp0:
0x60: {  	[tilespmem:s25+$0xC10] =	vst v9;
	(pc) =	sbr.rel @p0 .LBB2_2-.Ltmp0, $4  }
0x61: {  	[tilespmem:s25+$0xC20] =	vst v10  }
0x62: {  	[tilespmem:s25+$0xC30] =	vst v11  }
0x63: {  	s26 =	sadd.s32 $0x80, s26;
	[tilespmem:s25+$0xC40] =	vst v12  }
0x64: {  	s3 =	sand.u32 $0x800, s28;
	s28 =	sadd.s32 $0x100, s28;
	s9 =	sand.u32 $0x380, s26;
	[tilespmem:s25+$0xC50] =	vst v13  }
0x65: {  	s3 =	sor.u32 s9, s3;
	[tilespmem:s25+$0xC60] =	vst v14  }
0x66: {  	[tilespmem:s3+$0xC70] =	vst v15  }
0x67: {  	[tilespmem:s3+$0x800] =	vst v0  }
0x68: {  	[tilespmem:s3+$0x810] =	vst v1  }
0x69: {  	[tilespmem:s3+$0x820] =	vst v2  }
0x6a: {  	[tilespmem:s3+$0x830] =	vst v3  }
0x6b: {  	[tilespmem:s3+$0x840] =	vst v4  }
0x6c: {  	[tilespmem:s3+$0x850] =	vst v5  }
0x6d: {  	[tilespmem:s3+$0x860] =	vst v6  }
0x6e: {  	[tilespmem:s3+$0x870] =	vst v7  }
0x6f: {  	[tilespmem:s3+$0xC00] =	vst v8  }
0x70: {  	[tilespmem:s3+$0xC10] =	vst v9  }
0x71: {  	[tilespmem:s3+$0xC20] =	vst v10  }
0x72: {  	[tilespmem:s3+$0xC30] =	vst v11  }
0x73: {  	[tilespmem:s3+$0xC40] =	vst v12  }
0x74: {  	[tilespmem:s3+$0xC50] =	vst v13  }
0x75: {  	s9 =	sadd.s32 $0x0, s8;
	[tilespmem:s3+$0xC60] =	vst v14;
	s3 =	simm.s32 $0x200  }
.LBB2_4:
0x76: {  	[hbm4b:s9+s2] =	stream.linear.scatter [tilespmem:s29], [sflag:$0x1], $0x1000, $0x38;
	[tilespmem:$0x5800] =	vst v63  }
0x77: {  	s9 =	smov.u32 s3;
	p0 =	sne.s32 s3, $0x1FE00  }
.Ltmp1:
0x78: {  	s3 =	sadd.s32 $0x200, s3;
	(pc) =	sbr.rel @p0 .LBB2_4-.Ltmp1, $2  }
0x79: {  	_ =	sdelay $0x2  }
0x7a: {  	s9 =	sadd.s32 s9, s8  }
0x7b: {  	[hbm4b:s9+s2] =	stream.linear.scatter [tilespmem:s29], [sflag:$0x1], $0x1000, $0x38;
	[tilespmem:$0x5800] =	vst v63  }
0x7c: {  	v0 =	vld [tilespmem:$0x80]  }
0x7d: {  	v1 =	vld [tilespmem:$0x90]  }
0x7e: {  	v8 =	vld [tilespmem:$0xA0]  }
0x7f: {  	v10 =	vld [tilespmem:$0xB0]  }
0x80: {  	v12 =	vld [tilespmem:$0xC0]  }
0x81: {  	v14 =	vld [tilespmem:$0xD0]  }
0x82: {  	v13 =	vld [tilespmem:$0xE0]  }
0x83: {  	v11 =	vld [tilespmem:$0xF0]  }
0x84: {  	v2 =	vld [tilespmem:$0x480]  }
0x85: {  	v3 =	vld [tilespmem:$0x490]  }
0x86: {  	v4 =	vld [tilespmem:$0x4A0]  }
0x87: {  	v5 =	vld [tilespmem:$0x4B0]  }
0x88: {  	s25 =	simm.s32 $0x0;
	v6 =	vld [tilespmem:$0x4C0]  }
0x89: {  	v7 =	vld [tilespmem:$0x4D0];
	s28 =	sand.u32 $0x800, s25;
	s3 =	sand.u32 $0x380, s25  }
0x8a: {  	v9 =	vld [tilespmem:$0x4E0];
	s3 =	sor.u32 s3, s28  }
0x8b: {  	v15 =	vld [tilespmem:$0x4F0];
	[tilespmem:s3+$0x1800] =	vst v0  }
0x8c: {  	[tilespmem:s3+$0x1810] =	vst v1  }
0x8d: {  	[tilespmem:s3+$0x1820] =	vst v8  }
0x8e: {  	[tilespmem:s3+$0x1830] =	vst v10  }
0x8f: {  	[tilespmem:s3+$0x1840] =	vst v12  }
0x90: {  	s26 =	simm.s32 $0x100;
	[tilespmem:s3+$0x1850] =	vst v14  }
.LBB2_6:
0x91: {  	p0 =	sne.s32 s26, $0xF00;
	[tilespmem:s3+$0x1860] =	vst v13;
	s9 =	sor.u32 s28, s25  }
0x92: {  	[tilespmem:s3+$0x1870] =	vst v11;
	s9 =	sor.u32 $0x1400, s9  }
0x93: {  	[tilespmem:s9+$0x870] =	vst v15  }
0x94: {  	[tilespmem:s9+$0x800] =	vst v2  }
0x95: {  	[tilespmem:s9+$0x810] =	vst v3  }
0x96: {  	[tilespmem:s9+$0x820] =	vst v4  }
0x97: {  	[tilespmem:s9+$0x830] =	vst v5  }
0x98: {  	s25 =	sadd.s32 $0x80, s25;
	[tilespmem:s9+$0x840] =	vst v6  }
0x99: {  	s28 =	sand.u32 $0x800, s26;
	s3 =	sand.u32 $0x380, s25;
	[tilespmem:s9+$0x850] =	vst v7  }
0x9a: {  	s3 =	sor.u32 s3, s28;
	[tilespmem:s9+$0x860] =	vst v9  }
0x9b: {  	[tilespmem:s3+$0x1800] =	vst v0  }
.Ltmp2:
0x9c: {  	[tilespmem:s3+$0x1810] =	vst v1;
	(pc) =	sbr.rel @p0 .LBB2_6-.Ltmp2, $4  }
0x9d: {  	[tilespmem:s3+$0x1820] =	vst v8  }
0x9e: {  	[tilespmem:s3+$0x1830] =	vst v10  }
0x9f: {  	[tilespmem:s3+$0x1840] =	vst v12  }
0xa0: {  	s26 =	sadd.s32 $0x100, s26;
	[tilespmem:s3+$0x1850] =	vst v14  }
0xa1: {  	[tilespmem:s3+$0x1860] =	vst v13;
	s9 =	sor.u32 s28, s25  }
0xa2: {  	[tilespmem:s3+$0x1870] =	vst v11;
	s28 =	sor.u32 $0x1400, s9  }
0xa3: {  	[tilespmem:s28+$0x870] =	vst v15  }
0xa4: {  	[tilespmem:s28+$0x800] =	vst v2  }
0xa5: {  	[tilespmem:s28+$0x810] =	vst v3  }
0xa6: {  	[tilespmem:s28+$0x820] =	vst v4  }
0xa7: {  	[tilespmem:s28+$0x830] =	vst v5  }
0xa8: {  	[tilespmem:s28+$0x840] =	vst v6  }
0xa9: {  	[tilespmem:s28+$0x850] =	vst v7  }
0xaa: {  	s3 =	simm.s32 $0x200;
	s9 =	sadd.s32 $0x0, s11;
	[tilespmem:s28+$0x860] =	vst v9  }
.LBB2_8:
0xab: {  	[hbm4b:s9+s2] =	stream.linear.scatter [tilespmem:s30], [sflag:$0x2], $0x1000, $0x38;
	[tilespmem:$0x5800] =	vst v63  }
0xac: {  	s9 =	smov.u32 s3;
	p0 =	sne.s32 s3, $0x1FE00  }
.Ltmp3:
0xad: {  	s3 =	sadd.s32 $0x200, s3;
	(pc) =	sbr.rel @p0 .LBB2_8-.Ltmp3, $2  }
0xae: {  	_ =	sdelay $0x2  }
0xaf: {  	s9 =	sadd.s32 s9, s11  }
0xb0: {  	[hbm4b:s9+s2] =	stream.linear.scatter [tilespmem:s30], [sflag:$0x2], $0x1000, $0x38;
	[tilespmem:$0x5800] =	vst v63  }
0xb1: {  	v0 =	vld [tilespmem:$0x100]  }
0xb2: {  	v1 =	vld [tilespmem:$0x110]  }
0xb3: {  	v8 =	vld [tilespmem:$0x120]  }
0xb4: {  	v10 =	vld [tilespmem:$0x130]  }
0xb5: {  	v12 =	vld [tilespmem:$0x140]  }
0xb6: {  	v14 =	vld [tilespmem:$0x150]  }
0xb7: {  	v13 =	vld [tilespmem:$0x160]  }
0xb8: {  	v11 =	vld [tilespmem:$0x170]  }
0xb9: {  	v2 =	vld [tilespmem:$0x500]  }
0xba: {  	v3 =	vld [tilespmem:$0x510]  }
0xbb: {  	v4 =	vld [tilespmem:$0x520]  }
0xbc: {  	v5 =	vld [tilespmem:$0x530]  }
0xbd: {  	s25 =	simm.s32 $0x0;
	v6 =	vld [tilespmem:$0x540]  }
0xbe: {  	v7 =	vld [tilespmem:$0x550];
	s28 =	sand.u32 $0x800, s25;
	s3 =	sand.u32 $0x380, s25  }
0xbf: {  	v9 =	vld [tilespmem:$0x560];
	s3 =	sor.u32 s3, s28  }
0xc0: {  	v15 =	vld [tilespmem:$0x570];
	[tilespmem:s3+$0x2800] =	vst v0  }
0xc1: {  	[tilespmem:s3+$0x2810] =	vst v1  }
0xc2: {  	[tilespmem:s3+$0x2820] =	vst v8  }
0xc3: {  	[tilespmem:s3+$0x2830] =	vst v10  }
0xc4: {  	[tilespmem:s3+$0x2840] =	vst v12  }
0xc5: {  	s26 =	simm.s32 $0x100;
	[tilespmem:s3+$0x2850] =	vst v14  }
.LBB2_10:
0xc6: {  	p0 =	sne.s32 s26, $0xF00;
	[tilespmem:s3+$0x2860] =	vst v13;
	s9 =	sor.u32 s28, s25  }
0xc7: {  	[tilespmem:s3+$0x2870] =	vst v11;
	s9 =	sor.u32 $0x2400, s9  }
0xc8: {  	[tilespmem:s9+$0x870] =	vst v15  }
0xc9: {  	[tilespmem:s9+$0x800] =	vst v2  }
0xca: {  	[tilespmem:s9+$0x810] =	vst v3  }
0xcb: {  	[tilespmem:s9+$0x820] =	vst v4  }
0xcc: {  	[tilespmem:s9+$0x830] =	vst v5  }
0xcd: {  	s25 =	sadd.s32 $0x80, s25;
	[tilespmem:s9+$0x840] =	vst v6  }
0xce: {  	s28 =	sand.u32 $0x800, s26;
	s3 =	sand.u32 $0x380, s25;
	[tilespmem:s9+$0x850] =	vst v7  }
0xcf: {  	s3 =	sor.u32 s3, s28;
	[tilespmem:s9+$0x860] =	vst v9  }
0xd0: {  	[tilespmem:s3+$0x2800] =	vst v0  }
.Ltmp4:
0xd1: {  	[tilespmem:s3+$0x2810] =	vst v1;
	(pc) =	sbr.rel @p0 .LBB2_10-.Ltmp4, $4  }
0xd2: {  	[tilespmem:s3+$0x2820] =	vst v8  }
0xd3: {  	[tilespmem:s3+$0x2830] =	vst v10  }
0xd4: {  	[tilespmem:s3+$0x2840] =	vst v12  }
0xd5: {  	s26 =	sadd.s32 $0x100, s26;
	[tilespmem:s3+$0x2850] =	vst v14  }
0xd6: {  	[tilespmem:s3+$0x2860] =	vst v13;
	s9 =	sor.u32 s28, s25  }
0xd7: {  	[tilespmem:s3+$0x2870] =	vst v11;
	s28 =	sor.u32 $0x2400, s9  }
0xd8: {  	[tilespmem:s28+$0x870] =	vst v15  }
0xd9: {  	[tilespmem:s28+$0x800] =	vst v2  }
0xda: {  	[tilespmem:s28+$0x810] =	vst v3  }
0xdb: {  	[tilespmem:s28+$0x820] =	vst v4  }
0xdc: {  	[tilespmem:s28+$0x830] =	vst v5  }
0xdd: {  	[tilespmem:s28+$0x840] =	vst v6  }
0xde: {  	[tilespmem:s28+$0x850] =	vst v7  }
0xdf: {  	s3 =	simm.s32 $0x200;
	s9 =	sadd.s32 $0x0, s12;
	[tilespmem:s28+$0x860] =	vst v9  }
.LBB2_12:
0xe0: {  	[hbm4b:s9+s2] =	stream.linear.scatter [tilespmem:s31], [sflag:$0x3], $0x1000, $0x38;
	[tilespmem:$0x5800] =	vst v63  }
0xe1: {  	s9 =	smov.u32 s3;
	p0 =	sne.s32 s3, $0x1FE00  }
.Ltmp5:
0xe2: {  	s3 =	sadd.s32 $0x200, s3;
	(pc) =	sbr.rel @p0 .LBB2_12-.Ltmp5, $2  }
0xe3: {  	_ =	sdelay $0x2  }
0xe4: {  	s9 =	sadd.s32 s9, s12  }
0xe5: {  	[hbm4b:s9+s2] =	stream.linear.scatter [tilespmem:s31], [sflag:$0x3], $0x1000, $0x38;
	[tilespmem:$0x5800] =	vst v63  }
0xe6: {  	v0 =	vld [tilespmem:$0x180]  }
0xe7: {  	v1 =	vld [tilespmem:$0x190]  }
0xe8: {  	v8 =	vld [tilespmem:$0x1A0]  }
0xe9: {  	v10 =	vld [tilespmem:$0x1B0]  }
0xea: {  	v12 =	vld [tilespmem:$0x1C0]  }
0xeb: {  	v14 =	vld [tilespmem:$0x1D0]  }
0xec: {  	v13 =	vld [tilespmem:$0x1E0]  }
0xed: {  	v11 =	vld [tilespmem:$0x1F0]  }
0xee: {  	v2 =	vld [tilespmem:$0x580]  }
0xef: {  	v3 =	vld [tilespmem:$0x590]  }
0xf0: {  	v4 =	vld [tilespmem:$0x5A0]  }
0xf1: {  	v5 =	vld [tilespmem:$0x5B0]  }
0xf2: {  	s25 =	simm.s32 $0x0;
	v6 =	vld [tilespmem:$0x5C0]  }
0xf3: {  	v7 =	vld [tilespmem:$0x5D0];
	s28 =	sand.u32 $0x800, s25;
	s3 =	sand.u32 $0x380, s25  }
0xf4: {  	v9 =	vld [tilespmem:$0x5E0];
	s3 =	sor.u32 s3, s28  }
0xf5: {  	v15 =	vld [tilespmem:$0x5F0];
	[tilespmem:s3+$0x3800] =	vst v0  }
0xf6: {  	[tilespmem:s3+$0x3810] =	vst v1  }
0xf7: {  	[tilespmem:s3+$0x3820] =	vst v8  }
0xf8: {  	[tilespmem:s3+$0x3830] =	vst v10  }
0xf9: {  	[tilespmem:s3+$0x3840] =	vst v12  }
0xfa: {  	s26 =	simm.s32 $0x100;
	[tilespmem:s3+$0x3850] =	vst v14  }
.LBB2_14:
0xfb: {  	p0 =	sne.s32 s26, $0xF00;
	[tilespmem:s3+$0x3860] =	vst v13;
	s9 =	sor.u32 s28, s25  }
0xfc: {  	[tilespmem:s3+$0x3870] =	vst v11;
	s9 =	sor.u32 $0x3400, s9  }
0xfd: {  	[tilespmem:s9+$0x870] =	vst v15  }
0xfe: {  	[tilespmem:s9+$0x800] =	vst v2  }
0xff: {  	[tilespmem:s9+$0x810] =	vst v3  }
0x100: {  	[tilespmem:s9+$0x820] =	vst v4  }
0x101: {  	[tilespmem:s9+$0x830] =	vst v5  }
0x102: {  	s25 =	sadd.s32 $0x80, s25;
	[tilespmem:s9+$0x840] =	vst v6  }
0x103: {  	s28 =	sand.u32 $0x800, s26;
	s3 =	sand.u32 $0x380, s25;
	[tilespmem:s9+$0x850] =	vst v7  }
0x104: {  	s3 =	sor.u32 s3, s28;
	[tilespmem:s9+$0x860] =	vst v9  }
0x105: {  	[tilespmem:s3+$0x3800] =	vst v0  }
.Ltmp6:
0x106: {  	[tilespmem:s3+$0x3810] =	vst v1;
	(pc) =	sbr.rel @p0 .LBB2_14-.Ltmp6, $4  }
0x107: {  	[tilespmem:s3+$0x3820] =	vst v8  }
0x108: {  	[tilespmem:s3+$0x3830] =	vst v10  }
0x109: {  	[tilespmem:s3+$0x3840] =	vst v12  }
0x10a: {  	s26 =	sadd.s32 $0x100, s26;
	[tilespmem:s3+$0x3850] =	vst v14  }
0x10b: {  	[tilespmem:s3+$0x3860] =	vst v13;
	s9 =	sor.u32 s28, s25  }
0x10c: {  	[tilespmem:s3+$0x3870] =	vst v11;
	s28 =	sor.u32 $0x3400, s9  }
0x10d: {  	[tilespmem:s28+$0x870] =	vst v15  }
0x10e: {  	[tilespmem:s28+$0x800] =	vst v2  }
0x10f: {  	[tilespmem:s28+$0x810] =	vst v3  }
0x110: {  	[tilespmem:s28+$0x820] =	vst v4  }
0x111: {  	[tilespmem:s28+$0x830] =	vst v5  }
0x112: {  	[tilespmem:s28+$0x840] =	vst v6  }
0x113: {  	[tilespmem:s28+$0x850] =	vst v7  }
0x114: {  	s3 =	simm.s32 $0x200;
	s9 =	sadd.s32 $0x0, s13;
	[tilespmem:s28+$0x860] =	vst v9  }
.LBB2_16:
0x115: {  	[hbm4b:s9+s2] =	stream.linear.scatter [tilespmem:s0], [sflag:$0x4], $0x1000, $0x38;
	[tilespmem:$0x5800] =	vst v63  }
0x116: {  	s9 =	smov.u32 s3;
	p0 =	sne.s32 s3, $0x1FE00  }
.Ltmp7:
0x117: {  	s3 =	sadd.s32 $0x200, s3;
	(pc) =	sbr.rel @p0 .LBB2_16-.Ltmp7, $2  }
0x118: {  	_ =	sdelay $0x2  }
0x119: {  	s9 =	sadd.s32 s9, s13  }
0x11a: {  	[hbm4b:s9+s2] =	stream.linear.scatter [tilespmem:s0], [sflag:$0x4], $0x1000, $0x38;
	[tilespmem:$0x5800] =	vst v63  }
0x11b: {  	v0 =	vld [tilespmem:$0x200]  }
0x11c: {  	v1 =	vld [tilespmem:$0x210]  }
0x11d: {  	v8 =	vld [tilespmem:$0x220]  }
0x11e: {  	v10 =	vld [tilespmem:$0x230]  }
0x11f: {  	v12 =	vld [tilespmem:$0x240]  }
0x120: {  	v14 =	vld [tilespmem:$0x250]  }
0x121: {  	v13 =	vld [tilespmem:$0x260]  }
0x122: {  	v11 =	vld [tilespmem:$0x270]  }
0x123: {  	v2 =	vld [tilespmem:$0x600]  }
0x124: {  	v3 =	vld [tilespmem:$0x610]  }
0x125: {  	v4 =	vld [tilespmem:$0x620]  }
0x126: {  	v5 =	vld [tilespmem:$0x630]  }
0x127: {  	s25 =	simm.s32 $0x0;
	v6 =	vld [tilespmem:$0x640]  }
0x128: {  	v7 =	vld [tilespmem:$0x650];
	s28 =	sand.u32 $0x800, s25;
	s3 =	sand.u32 $0x380, s25  }
0x129: {  	v9 =	vld [tilespmem:$0x660];
	s3 =	sor.u32 s3, s28  }
0x12a: {  	v15 =	vld [tilespmem:$0x670];
	[tilespmem:s3+$0x4800] =	vst v0  }
0x12b: {  	[tilespmem:s3+$0x4810] =	vst v1  }
0x12c: {  	[tilespmem:s3+$0x4820] =	vst v8  }
0x12d: {  	[tilespmem:s3+$0x4830] =	vst v10  }
0x12e: {  	[tilespmem:s3+$0x4840] =	vst v12  }
0x12f: {  	s26 =	simm.s32 $0x100;
	[tilespmem:s3+$0x4850] =	vst v14  }
.LBB2_18:
0x130: {  	p0 =	sne.s32 s26, $0xF00;
	[tilespmem:s3+$0x4860] =	vst v13;
	s9 =	sor.u32 s28, s25  }
0x131: {  	[tilespmem:s3+$0x4870] =	vst v11;
	s9 =	sor.u32 $0x4400, s9  }
0x132: {  	[tilespmem:s9+$0x870] =	vst v15  }
0x133: {  	[tilespmem:s9+$0x800] =	vst v2  }
0x134: {  	[tilespmem:s9+$0x810] =	vst v3  }
0x135: {  	[tilespmem:s9+$0x820] =	vst v4  }
0x136: {  	[tilespmem:s9+$0x830] =	vst v5  }
0x137: {  	s25 =	sadd.s32 $0x80, s25;
	[tilespmem:s9+$0x840] =	vst v6  }
0x138: {  	s28 =	sand.u32 $0x800, s26;
	s3 =	sand.u32 $0x380, s25;
	[tilespmem:s9+$0x850] =	vst v7  }
0x139: {  	s3 =	sor.u32 s3, s28;
	[tilespmem:s9+$0x860] =	vst v9  }
0x13a: {  	[tilespmem:s3+$0x4800] =	vst v0  }
.Ltmp8:
0x13b: {  	[tilespmem:s3+$0x4810] =	vst v1;
	(pc) =	sbr.rel @p0 .LBB2_18-.Ltmp8, $4  }
0x13c: {  	[tilespmem:s3+$0x4820] =	vst v8  }
0x13d: {  	[tilespmem:s3+$0x4830] =	vst v10  }
0x13e: {  	[tilespmem:s3+$0x4840] =	vst v12  }
0x13f: {  	s26 =	sadd.s32 $0x100, s26;
	[tilespmem:s3+$0x4850] =	vst v14  }
0x140: {  	[tilespmem:s3+$0x4860] =	vst v13;
	s9 =	sor.u32 s28, s25  }
0x141: {  	[tilespmem:s3+$0x4870] =	vst v11;
	s28 =	sor.u32 $0x4400, s9  }
0x142: {  	[tilespmem:s28+$0x870] =	vst v15  }
0x143: {  	[tilespmem:s28+$0x800] =	vst v2  }
0x144: {  	[tilespmem:s28+$0x810] =	vst v3  }
0x145: {  	[tilespmem:s28+$0x820] =	vst v4  }
0x146: {  	[tilespmem:s28+$0x830] =	vst v5  }
0x147: {  	[tilespmem:s28+$0x840] =	vst v6  }
0x148: {  	[tilespmem:s28+$0x850] =	vst v7  }
0x149: {  	s3 =	simm.s32 $0x200;
	s9 =	sadd.s32 $0x0, s14;
	[tilespmem:s28+$0x860] =	vst v9  }
.LBB2_20:
0x14a: {  	[hbm4b:s9+s2] =	stream.linear.scatter [tilespmem:s1], [sflag:$0x5], $0x1000, $0x38;
	[tilespmem:$0x5800] =	vst v63  }
0x14b: {  	s9 =	smov.u32 s3;
	p0 =	sne.s32 s3, $0x1FE00  }
.Ltmp9:
0x14c: {  	s3 =	sadd.s32 $0x200, s3;
	(pc) =	sbr.rel @p0 .LBB2_20-.Ltmp9, $2  }
0x14d: {  	_ =	sdelay $0x2  }
0x14e: {  	s9 =	sadd.s32 s9, s14  }
0x14f: {  	[hbm4b:s9+s2] =	stream.linear.scatter [tilespmem:s1], [sflag:$0x5], $0x1000, $0x38;
	[tilespmem:$0x5800] =	vst v63  }
0x150: {  	_ =	swait.ge [sflag:s15], $0x20000  }
0x151: {  	[sflag:s15] =	ssyncset.done $0x0  }
0x152: {  	[sflag:s15] =	ssyncadd.s32 $0xFFFE0000  }
0x153: {  	_ =	swait.ge [sflag:s17], $0x20000  }
0x154: {  	[sflag:s17] =	ssyncset.done $0x0  }
0x155: {  	[sflag:s17] =	ssyncadd.s32 $0xFFFE0000  }
0x156: {  	_ =	swait.ge [sflag:s19], $0x20000  }
0x157: {  	[sflag:s19] =	ssyncset.done $0x0  }
0x158: {  	[sflag:s19] =	ssyncadd.s32 $0xFFFE0000  }
0x159: {  	_ =	swait.ge [sflag:s20], $0x20000  }
0x15a: {  	[sflag:s20] =	ssyncset.done $0x0  }
0x15b: {  	[sflag:s20] =	ssyncadd.s32 $0xFFFE0000  }
0x15c: {  	_ =	swait.ge [sflag:s22], $0x20000  }
0x15d: {  	s23 =	sadd.s32 $0x1, s23;
	s3 =	rddreg [dreg:$0x3]  }
0x15e: {  	p0 =	sne.s32 s23, s3  }
.Ltmp10:
0x15f: {  	_ = 	snop;
	(pc) =	sbr.rel @p0 .LBB2_1-.Ltmp10, $3  }
0x160: {  	_ =	sdelay $0x1  }
0x161: {  	[sflag:s22] =	ssyncset.done $0x0  }
0x162: {  	[sflag:s22] =	ssyncadd.s32 $0xFFFE0000  }
0x163: {  	_ =	sfence.sel $0x180000  }
0x164: {  	[bflag:$0x0] =	sbarrier.arrive $0xFFFF  }
0x165: {  	_ =	strace $0x90000047  }
0x166: {  	s0 =	stileid.u32;
	[bflag:$0x2] =	sbarrier.arrive $0xFFFF  }
0x167: {  	p0 =	sne.s32 s0, $0x0;
	s0 =	rddreg [dreg:$0x2]  }
0x168: {  	s0 =	sadd.s32 @!p0 $0x100000, s0  }
0x169: {  	[sflag:s0] =	ssyncadd.tile.s32 @!p0 $0x1;
	_ =	shalt  }
.Lfunc_end2:
_tile_overlayer_lowered:
.L_overlay_start_2:
0x16a: {  	(tag) =	ssettag $0x2  }
0x16b: {  	s0 =	rddreg [dreg:$0x0];
	s2 =	stileid.u32  }
0x16c: {  	s1 =	rddreg [dreg:$0x1];
	p0 =	sne.s32 s2, $0x0  }
0x16d: {  	s3 =	rddreg [dreg:$0x2];
	[bflag:$0x3] =	sbarrier.arrive $0xFFFF;
	s2 =	simm.s32 @!p0 $0x1C06  }
0x16e: {  	[timem:s3], [sflag:s2] =	dma.local @!p0 [hbm:s0], s1  }
0x16f: {  	s0 =	simm.s32 @!p0 $0x6  }
0x170: {  	_ =	swait.ge @!p0 [sflag:s0], s1  }
0x171: {  	s1 =	ssub.s32 @!p0 $0x0, s1;
	[sflag:s0] =	ssyncset.done @!p0 $0x0  }
0x172: {  	[sflag:s0] =	ssyncadd.s32 @!p0 s1  }
0x173: {  	[bflag:$0x3] =	sbarrier.arrive $0xFFFF  }
0x174: {  	_ =	shalt  }

</sc_bundles>
